<compile_context>
chip_gen: v7x
topology: tpu7x:2x2x1
jax: 0.10.2.dev20260603
libtpu: 0.0.44.dev20260713+nightly
codegen_flags: <defaults>
</compile_context>

<pallas_src>
import functools

import jax
import jax.numpy as jnp
from jax import lax
from jax.experimental import pallas as pl
from jax.experimental.pallas import tpu as pltpu
from jax.experimental.pallas import tpu_sc as plsc

N = 10000
E = 320000
D_IN = 128
H1, C1 = 2, 32
H2, C2 = 1, 128
F1 = H1 * C1
F2 = H2 * C2
NPAD = 10240
NB = 2048
EB = 2560
CH = 2560

P1 = 72
P2 = 136


def _fold(W, a, heads, ch):
    return jnp.einsum('khc,hc->kh', W.reshape(W.shape[0], heads, ch), a)


def _proj_kernel(w_ref, x_ref, o_ref):
    o_ref[...] = lax.dot_general(
        w_ref[...], x_ref[...], (((0,), (1,)), ((), ())),
        preferred_element_type=jnp.float32)


def _proj_relu_kernel(w_ref, x_ref, o_ref):
    hr = jnp.maximum(x_ref[...], 0.0)
    o_ref[...] = lax.dot_general(
        w_ref[...], hr, (((0,), (0,)), ((), ())),
        preferred_element_type=jnp.float32)


def _edge_kernel(w_ref, ea_ref, o_ref, s_ref):
    i = pl.program_id(0)
    blk = lax.dot_general(
        w_ref[...], ea_ref[...], (((0,), (1,)), ((), ())),
        preferred_element_type=jnp.float32)
    o_ref[...] = blk

    @pl.when(i == 0)
    def _():
        s_ref[...] = jnp.zeros_like(s_ref)

    s_ref[...] += jnp.broadcast_to(
        jnp.sum(blk, axis=1, keepdims=True), s_ref.shape)

    @pl.when(i == pl.num_programs(0) - 1)
    def _():
        s_ref[...] *= (1.0 / float(E))


def _tc_proj(Wfull, x, p_rows, contract_x_dim):
    kern = _proj_kernel if contract_x_dim == 1 else _proj_relu_kernel
    return pl.pallas_call(
        kern,
        grid=(NPAD // NB,),
        in_specs=[
            pl.BlockSpec((Wfull.shape[0], p_rows), lambda i: (0, 0)),
            (pl.BlockSpec((NB, Wfull.shape[0]), lambda i: (i, 0))
             if contract_x_dim == 1 else
             pl.BlockSpec((Wfull.shape[0], NB), lambda i: (0, i))),
        ],
        out_specs=pl.BlockSpec((p_rows, NB), lambda i: (0, i)),
        out_shape=jax.ShapeDtypeStruct((p_rows, NPAD), jnp.float32),
    )(Wfull, x)


def _tc_edge(Wef, edge_attr):
    return pl.pallas_call(
        _edge_kernel,
        grid=(E // EB,),
        in_specs=[
            pl.BlockSpec((16, 8), lambda i: (0, 0)),
            pl.BlockSpec((EB, 16), lambda i: (i, 0)),
        ],
        out_specs=[
            pl.BlockSpec((8, EB), lambda i: (0, i)),
            pl.BlockSpec((8, 128), lambda i: (0, 0)),
        ],
        out_shape=[
            jax.ShapeDtypeStruct((8, E), jnp.float32),
            jax.ShapeDtypeStruct((8, 128), jnp.float32),
        ],
    )(Wef, edge_attr)


def _sc_gat_layer(edge_index, projT, aeT, aeloop, bias, F, heads, ae_row):
    cpt = F // 32
    as_row = F
    ad_row = F + heads
    cdiv = F // heads
    mesh = plsc.VectorSubcoreMesh(core_axis_name="c", subcore_axis_name="s",
                                  num_cores=2, num_subcores=16)

    @functools.partial(
        pl.kernel,
        mesh=mesh,
        compiler_params=pltpu.CompilerParams(needs_layout_passes=False),
        out_type=jax.ShapeDtypeStruct((F * NPAD,), jnp.float32),
        scratch_types=[
            pltpu.VMEM((NPAD,), jnp.float32),
            pltpu.VMEM((NPAD,), jnp.float32),
            pltpu.VMEM((cpt * NPAD,), jnp.float32),
            pltpu.VMEM((cpt * NPAD,), jnp.float32),
            pltpu.VMEM((NPAD,), jnp.float32),
            pltpu.VMEM((CH,), jnp.int32),
            pltpu.VMEM((CH,), jnp.int32),
            pltpu.VMEM((CH,), jnp.float32),
            pltpu.VMEM((F + 16,), jnp.float32),
            pltpu.VMEM((16,), jnp.float32),
        ],
    )
    def k(edge_hbm, projT_hbm, aeT_hbm, aeloop_hbm, bias_hbm, out_hbm,
          as_t, ad_t, h_t, macc, pden, src_b, dst_b, ae_b, bias_b, aeloop_b):
        wid = lax.axis_index("s") * 2 + lax.axis_index("c")
        c0 = wid * cpt
        head = c0 // cdiv
        pltpu.sync_copy(projT_hbm.at[pl.ds((as_row + head) * NPAD, NPAD)],
                        as_t)
        pltpu.sync_copy(projT_hbm.at[pl.ds((ad_row + head) * NPAD, NPAD)],
                        ad_t)
        pltpu.sync_copy(projT_hbm.at[pl.ds(c0 * NPAD, cpt * NPAD)], h_t)
        pltpu.sync_copy(bias_hbm, bias_b)
        pltpu.sync_copy(aeloop_hbm.at[pl.ds((ae_row + head) * 128, 16)],
                        aeloop_b)
        ae_loop = aeloop_b[pl.ds(0, 16)][0]
        bvec = bias_b[pl.ds(c0, 16)]

        def loop_body(g, _):
            sl = pl.ds(g * 16, 16)
            a = as_t[sl] + ad_t[sl] + ae_loop
            a = jnp.where(a >= 0.0, a, a * 0.2)
            ex = jnp.exp(a)
            pden[sl] = ex
            for j in range(cpt):
                slj = pl.ds(j * NPAD + g * 16, 16)
                macc[slj] = ex * h_t[slj]
            return 0
        lax.fori_loop(0, NPAD // 16, loop_body, 0)

        def chunk_body(ck, _):
            start = ck * CH
            pltpu.sync_copy(edge_hbm.at[pl.ds(start, CH)], src_b)
            pltpu.sync_copy(edge_hbm.at[pl.ds(E + start, CH)], dst_b)
            pltpu.sync_copy(aeT_hbm.at[pl.ds((ae_row + head) * E + start, CH)],
                            ae_b)

            def g_body(g, _):
                sl = pl.ds(g * 16, 16)
                si = src_b[sl]
                di = dst_b[sl]
                a = (plsc.load_gather(as_t, [si])
                     + plsc.load_gather(ad_t, [di]) + ae_b[sl])
                a = jnp.where(a >= 0.0, a, a * 0.2)
                ex = jnp.exp(a)
                plsc.addupdate_scatter(pden, [di], ex)
                for j in range(cpt):
                    hv = plsc.load_gather(h_t, [si + (j * NPAD)])
                    plsc.addupdate_scatter(macc, [di + (j * NPAD)], hv * ex)
                return 0
            lax.fori_loop(0, CH // 16, g_body, 0)
            return 0
        lax.fori_loop(0, E // CH, chunk_body, 0)

        def fin_body(g, _):
            sl = pl.ds(g * 16, 16)
            r = 1.0 / (pden[sl] + 1e-16)
            for j in range(cpt):
                slj = pl.ds(j * NPAD + g * 16, 16)
                macc[slj] = macc[slj] * r + bvec[j]
            return 0
        lax.fori_loop(0, NPAD // 16, fin_body, 0)
        pltpu.sync_copy(macc, out_hbm.at[pl.ds(c0 * NPAD, cpt * NPAD)])

    bias_pad = jnp.pad(bias, (0, 16))
    out_flat = k(edge_index.reshape(-1), projT.reshape(-1), aeT.reshape(-1),
                 aeloop.reshape(-1), bias_pad)
    return out_flat.reshape(F, NPAD)


def kernel(x, edge_index, edge_attr, W1, a_s1, a_d1, We1, ae1, b1,
           W2, a_s2, a_d2, We2, ae2, b2):
    Wfull1 = jnp.concatenate(
        [W1, _fold(W1, a_s1, H1, C1), _fold(W1, a_d1, H1, C1),
         jnp.zeros((D_IN, P1 - F1 - 2 * H1), jnp.float32)], axis=1)
    Wfull2 = jnp.concatenate(
        [W2, _fold(W2, a_s2, H2, C2), _fold(W2, a_d2, H2, C2),
         jnp.zeros((F1, P2 - F2 - 2 * H2), jnp.float32)], axis=1)
    Wef = jnp.concatenate(
        [_fold(We1, ae1, H1, C1), _fold(We2, ae2, H2, C2),
         jnp.zeros((16, 8 - H1 - H2), jnp.float32)], axis=1)
    x_pad = jnp.pad(x, ((0, NPAD - N), (0, 0)))

    aeT, aeloop = _tc_edge(Wef, edge_attr)

    projT1 = _tc_proj(Wfull1, x_pad, P1, contract_x_dim=1)
    out1T = _sc_gat_layer(edge_index, projT1, aeT, aeloop, b1,
                          F1, H1, ae_row=0)

    projT2 = _tc_proj(Wfull2, out1T, P2, contract_x_dim=0)
    out2T = _sc_gat_layer(edge_index, projT2, aeT, aeloop, b2,
                          F2, H2, ae_row=H1)

    return out2T[:, :N].T

# --- scband reference (transcript-rebuilt; emitter-appended) ---
"""Pipeline reference for scband-gatmodel-55946243998130 (READ-ONLY COPY).

The authoritative reference and input builder live on the scoring server;
editing this copy changes nothing except your own understanding.
"""

import jax, jax.numpy as jnp
import numpy as np

N = 10000
E = 320000
D_IN = 128
D_EDGE = 16
H1, C1 = 2, 32
H2, C2 = 1, 128


def _gat_layer(x, edge_index, edge_attr, W, a_s, a_d, We, ae, b, heads, ch):
    n = x.shape[0]
    src = edge_index[0]
    dst = edge_index[1]
    loop = jnp.arange(n, dtype=src.dtype)
    src = jnp.concatenate([src, loop])
    dst = jnp.concatenate([dst, loop])
    mean_attr = jnp.mean(edge_attr, axis=0, keepdims=True)
    ea = jnp.concatenate([edge_attr, jnp.broadcast_to(mean_attr, (n, edge_attr.shape[1]))], axis=0)
    h = (x @ W).reshape(n, heads, ch)
    alpha_s = jnp.sum(h * a_s, axis=-1)
    alpha_d = jnp.sum(h * a_d, axis=-1)
    ef = (ea @ We).reshape(-1, heads, ch)
    alpha_e = jnp.sum(ef * ae, axis=-1)
    alpha = alpha_s[src] + alpha_d[dst] + alpha_e
    alpha = jax.nn.leaky_relu(alpha, negative_slope=0.2)
    amax = jax.ops.segment_max(alpha, dst, num_segments=n)
    amax = jax.lax.stop_gradient(amax)
    ex = jnp.exp(alpha - amax[dst])
    denom = jax.ops.segment_sum(ex, dst, num_segments=n)
    att = ex / (denom[dst] + 1e-16)
    msg = h[src] * att[:, :, None]
    out = jax.ops.segment_sum(msg, dst, num_segments=n)
    return out.reshape(n, heads * ch) + b


def setup_inputs(seed: int = 0):
    key = jax.random.key(seed)
    ks = jax.random.split(key, 16)
    inp = {}
    inp['x'] = jax.random.normal(ks[0], (N, D_IN), dtype=jnp.float32)
    inp['edge_index'] = jax.random.randint(ks[1], (2, E), 0, N, dtype=jnp.int32)
    inp['edge_attr'] = jax.random.normal(ks[2], (E, D_EDGE), dtype=jnp.float32)
    inp['W1'] = jax.random.normal(ks[3], (D_IN, H1 * C1), dtype=jnp.float32) * 0.05
    inp['a_s1'] = jax.random.normal(ks[4], (H1, C1), dtype=jnp.float32) * 0.05
    inp['a_d1'] = jax.random.normal(ks[5], (H1, C1), dtype=jnp.float32) * 0.05
    inp['We1'] = jax.random.normal(ks[6], (D_EDGE, H1 * C1), dtype=jnp.float32) * 0.05
    inp['ae1'] = jax.random.normal(ks[7], (H1, C1), dtype=jnp.float32) * 0.05
    inp['b1'] = jnp.zeros((H1 * C1,), dtype=jnp.float32)
    inp['W2'] = jax.random.normal(ks[8], (H1 * C1, H2 * C2), dtype=jnp.float32) * 0.05
    inp['a_s2'] = jax.random.normal(ks[9], (H2, C2), dtype=jnp.float32) * 0.05
    inp['a_d2'] = jax.random.normal(ks[10], (H2, C2), dtype=jnp.float32) * 0.05
    inp['We2'] = jax.random.normal(ks[11], (D_EDGE, H2 * C2), dtype=jnp.float32) * 0.05
    inp['ae2'] = jax.random.normal(ks[12], (H2, C2), dtype=jnp.float32) * 0.05
    inp['b2'] = jnp.zeros((H2 * C2,), dtype=jnp.float32)
    return inp


def reference(x, edge_index, edge_attr, W1, a_s1, a_d1, We1, ae1, b1, W2, a_s2, a_d2, We2, ae2, b2):
    h = _gat_layer(x, edge_index, edge_attr, W1, a_s1, a_d1, We1, ae1, b1, H1, C1)
    h = jax.nn.relu(h)
    out = _gat_layer(h, edge_index, edge_attr, W2, a_s2, a_d2, We2, ae2, b2, H2, C2)
    return out

if __name__ == "__main__":
    import jax
    _d = setup_inputs()
    print(jax.jit(kernel)(*tuple(_d.values())))

</pallas_src>

<mosaic_0001>
#map = affine_map<(d0, d1) -> (0)>
module attributes {stable_mosaic.version = 14 : i64} {
  func.func @k(%arg0: i32, %arg1: i32, %arg2: memref<640000xi32, #tpu.memory_space<hbm>>, %arg3: memref<1392640xf32, #tpu.memory_space<hbm>>, %arg4: memref<2560000xf32, #tpu.memory_space<hbm>>, %arg5: memref<1024xf32, #tpu.memory_space<hbm>>, %arg6: memref<144xf32, #tpu.memory_space<hbm>>, %arg7: memref<1310720xf32, #tpu.memory_space<hbm>>, %arg8: memref<10240xf32, #tpu.memory_space<vmem>>, %arg9: memref<10240xf32, #tpu.memory_space<vmem>>, %arg10: memref<40960xf32, #tpu.memory_space<vmem>>, %arg11: memref<40960xf32, #tpu.memory_space<vmem>>, %arg12: memref<10240xf32, #tpu.memory_space<vmem>>, %arg13: memref<2560xi32, #tpu.memory_space<vmem>>, %arg14: memref<2560xi32, #tpu.memory_space<vmem>>, %arg15: memref<2560xf32, #tpu.memory_space<vmem>>, %arg16: memref<144xf32, #tpu.memory_space<vmem>>, %arg17: memref<16xf32, #tpu.memory_space<vmem>>) attributes {dimension_semantics = [#tpu.dimension_semantics<core_parallel>, #tpu.dimension_semantics<subcore_parallel>], iteration_bounds = array<i64: 2, 16>, scalar_prefetch = 0 : i64, scratch_operands = 10 : i64, tpu.core_type = #tpu.core_type<sc_vector_subcore>, window_params = [{transform_indices = #map}, {transform_indices = #map}, {transform_indices = #map}, {transform_indices = #map}, {transform_indices = #map}, {transform_indices = #map}]} {
    %mul3A = arith.constant 2 : i32
    %mul3A_0 = arith.muli %arg1, %mul3A : i32
    %add3A = arith.addi %mul3A_0, %arg0 : i32
    %mul3A_1 = arith.constant 4 : i32
    %mul3A_2 = arith.muli %add3A, %mul3A_1 : i32
    %jit3A = arith.constant 128 : i32
    %div3A = arith.divsi %mul3A_2, %jit3A : i32
    %sign3A = arith.constant 0 : i32
    %sign3A_3 = arith.cmpi sgt, %mul3A_2, %sign3A : i32
    %sign3A_4 = arith.extui %sign3A_3 : i1 to i32
    %sign3A_5 = arith.constant 0 : i32
    %sign3A_6 = arith.cmpi slt, %mul3A_2, %sign3A_5 : i32
    %sign3A_7 = arith.extui %sign3A_6 : i1 to i32
    %sign3A_8 = arith.subi %sign3A_4, %sign3A_7 : i32
    %sign3A_9 = arith.constant 0 : i32
    %sign3A_10 = arith.cmpi sgt, %jit3A, %sign3A_9 : i32
    %sign3A_11 = arith.extui %sign3A_10 : i1 to i32
    %sign3A_12 = arith.constant 0 : i32
    %sign3A_13 = arith.cmpi slt, %jit3A, %sign3A_12 : i32
    %sign3A_14 = arith.extui %sign3A_13 : i1 to i32
    %sign3A_15 = arith.subi %sign3A_11, %sign3A_14 : i32
    %ne3A = arith.cmpi ne, %sign3A_8, %sign3A_15 : i32
    %rem3A = arith.remsi %mul3A_2, %jit3A : i32
    %ne3A_16 = arith.constant 0 : i32
    %ne3A_17 = arith.cmpi ne, %rem3A, %ne3A_16 : i32
    %and3A = arith.andi %ne3A, %ne3A_17 : i1
    %sub3A = arith.constant 1 : i32
    %sub3A_18 = arith.subi %div3A, %sub3A : i32
    %select_n3A = arith.select %and3A, %sub3A_18, %div3A : i32
    %add3A_19 = arith.constant 128 : i32
    %add3A_20 = arith.addi %add3A_19, %select_n3A : i32
    %mul3A_21 = arith.constant 10240 : i32
    %mul3A_22 = arith.muli %add3A_20, %mul3A_21 : i32
    "tpu.region"() ({
      %run_scoped3A = tpu.sem_alloc : memref<!tpu.dma_semaphore, #tpu.memory_space<semaphore_mem>>
      %dma_start3A = tpu.memref_slice %arg3[%mul3A_22] : memref<1392640xf32, #tpu.memory_space<hbm>> -> memref<10240xf32, #tpu.memory_space<hbm>>
      %dma_start3A_58 = tpu.memref_slice %arg3[%mul3A_22] : memref<1392640xf32, #tpu.memory_space<hbm>> -> memref<10240xf32, #tpu.memory_space<hbm>>
      tpu.enqueue_dma source(%dma_start3A_58 : memref<10240xf32, #tpu.memory_space<hbm>>) target(%arg8 : memref<10240xf32, #tpu.memory_space<vmem>>) target_semaphore(%run_scoped3A : memref<!tpu.dma_semaphore, #tpu.memory_space<semaphore_mem>>)
      %dma_wait3A = tpu.memref_slice %arg3[%mul3A_22] : memref<1392640xf32, #tpu.memory_space<hbm>> -> memref<10240xf32, #tpu.memory_space<hbm>>
      %dma_wait3A_59 = tpu.memref_slice %arg3[%mul3A_22] : memref<1392640xf32, #tpu.memory_space<hbm>> -> memref<10240xf32, #tpu.memory_space<hbm>>
      tpu.wait_dma2 semaphore(%run_scoped3A : memref<!tpu.dma_semaphore, #tpu.memory_space<semaphore_mem>>) src(%dma_wait3A_59 : memref<10240xf32, #tpu.memory_space<hbm>>) dst(%arg8 : memref<10240xf32, #tpu.memory_space<vmem>>)
      tpu.yield
    }) : () -> ()
    %add3A_23 = arith.constant 129 : i32
    %add3A_24 = arith.addi %add3A_23, %select_n3A : i32
    %mul3A_25 = arith.constant 10240 : i32
    %mul3A_26 = arith.muli %add3A_24, %mul3A_25 : i32
    "tpu.region"() ({
      %run_scoped3A = tpu.sem_alloc : memref<!tpu.dma_semaphore, #tpu.memory_space<semaphore_mem>>
      %dma_start3A = tpu.memref_slice %arg3[%mul3A_26] : memref<1392640xf32, #tpu.memory_space<hbm>> -> memref<10240xf32, #tpu.memory_space<hbm>>
      %dma_start3A_58 = tpu.memref_slice %arg3[%mul3A_26] : memref<1392640xf32, #tpu.memory_space<hbm>> -> memref<10240xf32, #tpu.memory_space<hbm>>
      tpu.enqueue_dma source(%dma_start3A_58 : memref<10240xf32, #tpu.memory_space<hbm>>) target(%arg9 : memref<10240xf32, #tpu.memory_space<vmem>>) target_semaphore(%run_scoped3A : memref<!tpu.dma_semaphore, #tpu.memory_space<semaphore_mem>>)
      %dma_wait3A = tpu.memref_slice %arg3[%mul3A_26] : memref<1392640xf32, #tpu.memory_space<hbm>> -> memref<10240xf32, #tpu.memory_space<hbm>>
      %dma_wait3A_59 = tpu.memref_slice %arg3[%mul3A_26] : memref<1392640xf32, #tpu.memory_space<hbm>> -> memref<10240xf32, #tpu.memory_space<hbm>>
      tpu.wait_dma2 semaphore(%run_scoped3A : memref<!tpu.dma_semaphore, #tpu.memory_space<semaphore_mem>>) src(%dma_wait3A_59 : memref<10240xf32, #tpu.memory_space<hbm>>) dst(%arg9 : memref<10240xf32, #tpu.memory_space<vmem>>)
      tpu.yield
    }) : () -> ()
    %mul3A_27 = arith.constant 10240 : i32
    %mul3A_28 = arith.muli %mul3A_2, %mul3A_27 : i32
    "tpu.region"() ({
      %run_scoped3A = tpu.sem_alloc : memref<!tpu.dma_semaphore, #tpu.memory_space<semaphore_mem>>
      %dma_start3A = tpu.memref_slice %arg3[%mul3A_28] : memref<1392640xf32, #tpu.memory_space<hbm>> -> memref<40960xf32, #tpu.memory_space<hbm>>
      %dma_start3A_58 = tpu.memref_slice %arg3[%mul3A_28] : memref<1392640xf32, #tpu.memory_space<hbm>> -> memref<40960xf32, #tpu.memory_space<hbm>>
      tpu.enqueue_dma source(%dma_start3A_58 : memref<40960xf32, #tpu.memory_space<hbm>>) target(%arg10 : memref<40960xf32, #tpu.memory_space<vmem>>) target_semaphore(%run_scoped3A : memref<!tpu.dma_semaphore, #tpu.memory_space<semaphore_mem>>)
      %dma_wait3A = tpu.memref_slice %arg3[%mul3A_28] : memref<1392640xf32, #tpu.memory_space<hbm>> -> memref<40960xf32, #tpu.memory_space<hbm>>
      %dma_wait3A_59 = tpu.memref_slice %arg3[%mul3A_28] : memref<1392640xf32, #tpu.memory_space<hbm>> -> memref<40960xf32, #tpu.memory_space<hbm>>
      tpu.wait_dma2 semaphore(%run_scoped3A : memref<!tpu.dma_semaphore, #tpu.memory_space<semaphore_mem>>) src(%dma_wait3A_59 : memref<40960xf32, #tpu.memory_space<hbm>>) dst(%arg10 : memref<40960xf32, #tpu.memory_space<vmem>>)
      tpu.yield
    }) : () -> ()
    "tpu.region"() ({
      %run_scoped3A = tpu.sem_alloc : memref<!tpu.dma_semaphore, #tpu.memory_space<semaphore_mem>>
      tpu.enqueue_dma source(%arg6 : memref<144xf32, #tpu.memory_space<hbm>>) target(%arg16 : memref<144xf32, #tpu.memory_space<vmem>>) target_semaphore(%run_scoped3A : memref<!tpu.dma_semaphore, #tpu.memory_space<semaphore_mem>>)
      tpu.wait_dma2 semaphore(%run_scoped3A : memref<!tpu.dma_semaphore, #tpu.memory_space<semaphore_mem>>) src(%arg6 : memref<144xf32, #tpu.memory_space<hbm>>) dst(%arg16 : memref<144xf32, #tpu.memory_space<vmem>>)
      tpu.yield
    }) : () -> ()
    %add3A_29 = arith.constant 2 : i32
    %add3A_30 = arith.addi %add3A_29, %select_n3A : i32
    %mul3A_31 = arith.constant 128 : i32
    %mul3A_32 = arith.muli %add3A_30, %mul3A_31 : i32
    "tpu.region"() ({
      %run_scoped3A = tpu.sem_alloc : memref<!tpu.dma_semaphore, #tpu.memory_space<semaphore_mem>>
      %dma_start3A = tpu.memref_slice %arg5[%mul3A_32] : memref<1024xf32, #tpu.memory_space<hbm>> -> memref<16xf32, #tpu.memory_space<hbm>>
      %dma_start3A_58 = tpu.memref_slice %arg5[%mul3A_32] : memref<1024xf32, #tpu.memory_space<hbm>> -> memref<16xf32, #tpu.memory_space<hbm>>
      tpu.enqueue_dma source(%dma_start3A_58 : memref<16xf32, #tpu.memory_space<hbm>>) target(%arg17 : memref<16xf32, #tpu.memory_space<vmem>>) target_semaphore(%run_scoped3A : memref<!tpu.dma_semaphore, #tpu.memory_space<semaphore_mem>>)
      %dma_wait3A = tpu.memref_slice %arg5[%mul3A_32] : memref<1024xf32, #tpu.memory_space<hbm>> -> memref<16xf32, #tpu.memory_space<hbm>>
      %dma_wait3A_59 = tpu.memref_slice %arg5[%mul3A_32] : memref<1024xf32, #tpu.memory_space<hbm>> -> memref<16xf32, #tpu.memory_space<hbm>>
      tpu.wait_dma2 semaphore(%run_scoped3A : memref<!tpu.dma_semaphore, #tpu.memory_space<semaphore_mem>>) src(%dma_wait3A_59 : memref<16xf32, #tpu.memory_space<hbm>>) dst(%arg17 : memref<16xf32, #tpu.memory_space<vmem>>)
      tpu.yield
    }) : () -> ()
    %get3A = arith.constant 0 : index
    %get3A_33 = tpu.vector_load %arg17[%get3A] {strides = array<i32>} : memref<16xf32, #tpu.memory_space<vmem>>, vector<16xf32>,
    %slice3A = vector.extract_strided_slice %get3A_33 {offsets = [0], sizes = [1], strides = [1]} : vector<16xf32> to vector<1xf32>
    %squeeze3A = vector.extract %slice3A[0] : f32 from vector<1xf32>
    %get3A_34 = arith.index_cast %mul3A_2 : i32 to index
    %get3A_35 = tpu.vector_load %arg16[%get3A_34] {strides = array<i32>} : memref<144xf32, #tpu.memory_space<vmem>>, vector<16xf32>,
    %scan3A = arith.constant 0 : i32
    %scan3A_36 = arith.constant 0 : i32
    %scan3A_37 = arith.constant 640 : i32
    %scan3A_38 = arith.addi %scan3A_36, %scan3A_37 : i32
    %scan3A_39 = arith.constant 1 : i32
    %scan3A_40 = scf.for %scan3A_58 = %scan3A_36 to %scan3A_38 step %scan3A_39 iter_args(%scan3A_59 = %scan3A) -> (i32)  : i32 {
      %mul3A_60 = arith.constant 16 : i32
      %mul3A_61 = arith.muli %scan3A_58, %mul3A_60 : i32
      %get3A_62 = arith.index_cast %mul3A_61 : i32 to index
      %get3A_63 = tpu.vector_load %arg8[%get3A_62] {strides = array<i32>} : memref<10240xf32, #tpu.memory_space<vmem>>, vector<16xf32>,
      %get3A_64 = arith.index_cast %mul3A_61 : i32 to index
      %get3A_65 = tpu.vector_load %arg9[%get3A_64] {strides = array<i32>} : memref<10240xf32, #tpu.memory_space<vmem>>, vector<16xf32>,
      %add3A_66 = arith.addf %get3A_63, %get3A_65 : vector<16xf32>
      %add3A_67 = vector.broadcast %squeeze3A : f32 to vector<16xf32>
      %add3A_68 = arith.addf %add3A_66, %add3A_67 : vector<16xf32>
      %ge3A = arith.constant 0.000000e+00 : f32
      %ge3A_69 = vector.broadcast %ge3A : f32 to vector<16xf32>
      %ge3A_70 = arith.cmpf oge, %add3A_68, %ge3A_69 : vector<16xf32>
      %mul3A_71 = arith.constant 2.000000e-01 : f32
      %mul3A_72 = vector.broadcast %mul3A_71 : f32 to vector<16xf32>
      %mul3A_73 = arith.mulf %add3A_68, %mul3A_72 : vector<16xf32>
      %select_n3A_74 = arith.select %ge3A_70, %add3A_68, %mul3A_73 : vector<16xi1>, vector<16xf32>
      %exp3A = math.exp %select_n3A_74 : vector<16xf32>
      %swap3A = arith.index_cast %mul3A_61 : i32 to index
      %swap3A_75 = tpu.vector_load %arg12[%swap3A] {strides = array<i32>} : memref<10240xf32, #tpu.memory_space<vmem>>, vector<16xf32>,
      tpu.vector_store %arg12[%swap3A], %exp3A {strides = array<i32>} : memref<10240xf32, #tpu.memory_space<vmem>>, vector<16xf32>,
      %mul3A_76 = arith.constant 16 : i32
      %mul3A_77 = arith.muli %scan3A_58, %mul3A_76 : i32
      %add3A_78 = arith.constant 0 : i32
      %add3A_79 = arith.addi %add3A_78, %mul3A_77 : i32
      %get3A_80 = arith.index_cast %add3A_79 : i32 to index
      %get3A_81 = tpu.vector_load %arg10[%get3A_80] {strides = array<i32>} : memref<40960xf32, #tpu.memory_space<vmem>>, vector<16xf32>,
      %mul3A_82 = arith.mulf %exp3A, %get3A_81 : vector<16xf32>
      %swap3A_83 = arith.index_cast %add3A_79 : i32 to index
      %swap3A_84 = tpu.vector_load %arg11[%swap3A_83] {strides = array<i32>} : memref<40960xf32, #tpu.memory_space<vmem>>, vector<16xf32>,
      tpu.vector_store %arg11[%swap3A_83], %mul3A_82 {strides = array<i32>} : memref<40960xf32, #tpu.memory_space<vmem>>, vector<16xf32>,
      %mul3A_85 = arith.constant 16 : i32
      %mul3A_86 = arith.muli %scan3A_58, %mul3A_85 : i32
      %add3A_87 = arith.constant 10240 : i32
      %add3A_88 = arith.addi %add3A_87, %mul3A_86 : i32
      %get3A_89 = arith.index_cast %add3A_88 : i32 to index
      %get3A_90 = tpu.vector_load %arg10[%get3A_89] {strides = array<i32>} : memref<40960xf32, #tpu.memory_space<vmem>>, vector<16xf32>,
      %mul3A_91 = arith.mulf %exp3A, %get3A_90 : vector<16xf32>
      %swap3A_92 = arith.index_cast %add3A_88 : i32 to index
      %swap3A_93 = tpu.vector_load %arg11[%swap3A_92] {strides = array<i32>} : memref<40960xf32, #tpu.memory_space<vmem>>, vector<16xf32>,
      tpu.vector_store %arg11[%swap3A_92], %mul3A_91 {strides = array<i32>} : memref<40960xf32, #tpu.memory_space<vmem>>, vector<16xf32>,
      %mul3A_94 = arith.constant 16 : i32
      %mul3A_95 = arith.muli %scan3A_58, %mul3A_94 : i32
      %add3A_96 = arith.constant 20480 : i32
      %add3A_97 = arith.addi %add3A_96, %mul3A_95 : i32
      %get3A_98 = arith.index_cast %add3A_97 : i32 to index
      %get3A_99 = tpu.vector_load %arg10[%get3A_98] {strides = array<i32>} : memref<40960xf32, #tpu.memory_space<vmem>>, vector<16xf32>,
      %mul3A_100 = arith.mulf %exp3A, %get3A_99 : vector<16xf32>
      %swap3A_101 = arith.index_cast %add3A_97 : i32 to index
      %swap3A_102 = tpu.vector_load %arg11[%swap3A_101] {strides = array<i32>} : memref<40960xf32, #tpu.memory_space<vmem>>, vector<16xf32>,
      tpu.vector_store %arg11[%swap3A_101], %mul3A_100 {strides = array<i32>} : memref<40960xf32, #tpu.memory_space<vmem>>, vector<16xf32>,
      %mul3A_103 = arith.constant 16 : i32
      %mul3A_104 = arith.muli %scan3A_58, %mul3A_103 : i32
      %add3A_105 = arith.constant 30720 : i32
      %add3A_106 = arith.addi %add3A_105, %mul3A_104 : i32
      %get3A_107 = arith.index_cast %add3A_106 : i32 to index
      %get3A_108 = tpu.vector_load %arg10[%get3A_107] {strides = array<i32>} : memref<40960xf32, #tpu.memory_space<vmem>>, vector<16xf32>,
      %mul3A_109 = arith.mulf %exp3A, %get3A_108 : vector<16xf32>
      %swap3A_110 = arith.index_cast %add3A_106 : i32 to index
      %swap3A_111 = tpu.vector_load %arg11[%swap3A_110] {strides = array<i32>} : memref<40960xf32, #tpu.memory_space<vmem>>, vector<16xf32>,
      tpu.vector_store %arg11[%swap3A_110], %mul3A_109 {strides = array<i32>} : memref<40960xf32, #tpu.memory_space<vmem>>, vector<16xf32>,
      %scan3A_112 = arith.constant 0 : i32
      scf.yield %scan3A_112 : i32
    }
    %scan3A_41 = arith.constant 640 : i32
    %scan3A_42 = arith.constant 0 : i32
    %scan3A_43 = arith.constant 0 : i32
    %scan3A_44 = arith.constant 125 : i32
    %scan3A_45 = arith.addi %scan3A_43, %scan3A_44 : i32
    %scan3A_46 = arith.constant 1 : i32
    %scan3A_47 = scf.for %scan3A_58 = %scan3A_43 to %scan3A_45 step %scan3A_46 iter_args(%scan3A_59 = %scan3A_42) -> (i32)  : i32 {
      %mul3A_60 = arith.constant 2560 : i32
      %mul3A_61 = arith.muli %scan3A_58, %mul3A_60 : i32
      "tpu.region"() ({
        %run_scoped3A = tpu.sem_alloc : memref<!tpu.dma_semaphore, #tpu.memory_space<semaphore_mem>>
        %dma_start3A = tpu.memref_slice %arg2[%mul3A_61] : memref<640000xi32, #tpu.memory_space<hbm>> -> memref<2560xi32, #tpu.memory_space<hbm>>
        %dma_start3A_77 = tpu.memref_slice %arg2[%mul3A_61] : memref<640000xi32, #tpu.memory_space<hbm>> -> memref<2560xi32, #tpu.memory_space<hbm>>
        tpu.enqueue_dma source(%dma_start3A_77 : memref<2560xi32, #tpu.memory_space<hbm>>) target(%arg13 : memref<2560xi32, #tpu.memory_space<vmem>>) target_semaphore(%run_scoped3A : memref<!tpu.dma_semaphore, #tpu.memory_space<semaphore_mem>>)
        %dma_wait3A = tpu.memref_slice %arg2[%mul3A_61] : memref<640000xi32, #tpu.memory_space<hbm>> -> memref<2560xi32, #tpu.memory_space<hbm>>
        %dma_wait3A_78 = tpu.memref_slice %arg2[%mul3A_61] : memref<640000xi32, #tpu.memory_space<hbm>> -> memref<2560xi32, #tpu.memory_space<hbm>>
        tpu.wait_dma2 semaphore(%run_scoped3A : memref<!tpu.dma_semaphore, #tpu.memory_space<semaphore_mem>>) src(%dma_wait3A_78 : memref<2560xi32, #tpu.memory_space<hbm>>) dst(%arg13 : memref<2560xi32, #tpu.memory_space<vmem>>)
        tpu.yield
      }) : () -> ()
      %add3A_62 = arith.constant 320000 : i32
      %add3A_63 = arith.addi %add3A_62, %mul3A_61 : i32
      "tpu.region"() ({
        %run_scoped3A = tpu.sem_alloc : memref<!tpu.dma_semaphore, #tpu.memory_space<semaphore_mem>>
        %dma_start3A = tpu.memref_slice %arg2[%add3A_63] : memref<640000xi32, #tpu.memory_space<hbm>> -> memref<2560xi32, #tpu.memory_space<hbm>>
        %dma_start3A_77 = tpu.memref_slice %arg2[%add3A_63] : memref<640000xi32, #tpu.memory_space<hbm>> -> memref<2560xi32, #tpu.memory_space<hbm>>
        tpu.enqueue_dma source(%dma_start3A_77 : memref<2560xi32, #tpu.memory_space<hbm>>) target(%arg14 : memref<2560xi32, #tpu.memory_space<vmem>>) target_semaphore(%run_scoped3A : memref<!tpu.dma_semaphore, #tpu.memory_space<semaphore_mem>>)
        %dma_wait3A = tpu.memref_slice %arg2[%add3A_63] : memref<640000xi32, #tpu.memory_space<hbm>> -> memref<2560xi32, #tpu.memory_space<hbm>>
        %dma_wait3A_78 = tpu.memref_slice %arg2[%add3A_63] : memref<640000xi32, #tpu.memory_space<hbm>> -> memref<2560xi32, #tpu.memory_space<hbm>>
        tpu.wait_dma2 semaphore(%run_scoped3A : memref<!tpu.dma_semaphore, #tpu.memory_space<semaphore_mem>>) src(%dma_wait3A_78 : memref<2560xi32, #tpu.memory_space<hbm>>) dst(%arg14 : memref<2560xi32, #tpu.memory_space<vmem>>)
        tpu.yield
      }) : () -> ()
      %add3A_64 = arith.constant 2 : i32
      %add3A_65 = arith.addi %add3A_64, %select_n3A : i32
      %mul3A_66 = arith.constant 320000 : i32
      %mul3A_67 = arith.muli %add3A_65, %mul3A_66 : i32
      %add3A_68 = arith.addi %mul3A_67, %mul3A_61 : i32
      "tpu.region"() ({
        %run_scoped3A = tpu.sem_alloc : memref<!tpu.dma_semaphore, #tpu.memory_space<semaphore_mem>>
        %dma_start3A = tpu.memref_slice %arg4[%add3A_68] : memref<2560000xf32, #tpu.memory_space<hbm>> -> memref<2560xf32, #tpu.memory_space<hbm>>
        %dma_start3A_77 = tpu.memref_slice %arg4[%add3A_68] : memref<2560000xf32, #tpu.memory_space<hbm>> -> memref<2560xf32, #tpu.memory_space<hbm>>
        tpu.enqueue_dma source(%dma_start3A_77 : memref<2560xf32, #tpu.memory_space<hbm>>) target(%arg15 : memref<2560xf32, #tpu.memory_space<vmem>>) target_semaphore(%run_scoped3A : memref<!tpu.dma_semaphore, #tpu.memory_space<semaphore_mem>>)
        %dma_wait3A = tpu.memref_slice %arg4[%add3A_68] : memref<2560000xf32, #tpu.memory_space<hbm>> -> memref<2560xf32, #tpu.memory_space<hbm>>
        %dma_wait3A_78 = tpu.memref_slice %arg4[%add3A_68] : memref<2560000xf32, #tpu.memory_space<hbm>> -> memref<2560xf32, #tpu.memory_space<hbm>>
        tpu.wait_dma2 semaphore(%run_scoped3A : memref<!tpu.dma_semaphore, #tpu.memory_space<semaphore_mem>>) src(%dma_wait3A_78 : memref<2560xf32, #tpu.memory_space<hbm>>) dst(%arg15 : memref<2560xf32, #tpu.memory_space<vmem>>)
        tpu.yield
      }) : () -> ()
      %scan3A_69 = arith.constant 0 : i32
      %scan3A_70 = arith.constant 0 : i32
      %scan3A_71 = arith.constant 160 : i32
      %scan3A_72 = arith.addi %scan3A_70, %scan3A_71 : i32
      %scan3A_73 = arith.constant 1 : i32
      %scan3A_74 = scf.for %scan3A_77 = %scan3A_70 to %scan3A_72 step %scan3A_73 iter_args(%scan3A_78 = %scan3A_69) -> (i32)  : i32 {
        %mul3A_79 = arith.constant 16 : i32
        %mul3A_80 = arith.muli %scan3A_77, %mul3A_79 : i32
        %get3A_81 = arith.index_cast %mul3A_80 : i32 to index
        %get3A_82 = tpu.vector_load %arg13[%get3A_81] {strides = array<i32>} : memref<2560xi32, #tpu.memory_space<vmem>>, vector<16xi32>,
        %get3A_83 = arith.index_cast %mul3A_80 : i32 to index
        %get3A_84 = tpu.vector_load %arg14[%get3A_83] {strides = array<i32>} : memref<2560xi32, #tpu.memory_space<vmem>>, vector<16xi32>,
        %gather3A = tpu.vector_load_idx %arg8[%get3A_82] : memref<10240xf32, #tpu.memory_space<vmem>>[vector<16xi32>], vector<16xf32>,
        %gather3A_85 = tpu.vector_load_idx %arg9[%get3A_84] : memref<10240xf32, #tpu.memory_space<vmem>>[vector<16xi32>], vector<16xf32>,
        %add3A_86 = arith.addf %gather3A, %gather3A_85 : vector<16xf32>
        %get3A_87 = arith.index_cast %mul3A_80 : i32 to index
        %get3A_88 = tpu.vector_load %arg15[%get3A_87] {strides = array<i32>} : memref<2560xf32, #tpu.memory_space<vmem>>, vector<16xf32>,
        %add3A_89 = arith.addf %add3A_86, %get3A_88 : vector<16xf32>
        %ge3A = arith.constant 0.000000e+00 : f32
        %ge3A_90 = vector.broadcast %ge3A : f32 to vector<16xf32>
        %ge3A_91 = arith.cmpf oge, %add3A_89, %ge3A_90 : vector<16xf32>
        %mul3A_92 = arith.constant 2.000000e-01 : f32
        %mul3A_93 = vector.broadcast %mul3A_92 : f32 to vector<16xf32>
        %mul3A_94 = arith.mulf %add3A_89, %mul3A_93 : vector<16xf32>
        %select_n3A_95 = arith.select %ge3A_91, %add3A_89, %mul3A_94 : vector<16xi1>, vector<16xf32>
        %exp3A = math.exp %select_n3A_95 : vector<16xf32>
        tpu.vector_store_idx %arg12[%get3A_84], %exp3A {add = true} : memref<10240xf32, #tpu.memory_space<vmem>>[vector<16xi32>], vector<16xf32>,
        %add3A_96 = arith.constant 0 : i32
        %add3A_97 = vector.broadcast %add3A_96 : i32 to vector<16xi32>
        %add3A_98 = arith.addi %get3A_82, %add3A_97 : vector<16xi32>
        %gather3A_99 = tpu.vector_load_idx %arg10[%add3A_98] : memref<40960xf32, #tpu.memory_space<vmem>>[vector<16xi32>], vector<16xf32>,
        %add3A_100 = arith.constant 0 : i32
        %add3A_101 = vector.broadcast %add3A_100 : i32 to vector<16xi32>
        %add3A_102 = arith.addi %get3A_84, %add3A_101 : vector<16xi32>
        %mul3A_103 = arith.mulf %gather3A_99, %exp3A : vector<16xf32>
        tpu.vector_store_idx %arg11[%add3A_102], %mul3A_103 {add = true} : memref<40960xf32, #tpu.memory_space<vmem>>[vector<16xi32>], vector<16xf32>,
        %add3A_104 = arith.constant 10240 : i32
        %add3A_105 = vector.broadcast %add3A_104 : i32 to vector<16xi32>
        %add3A_106 = arith.addi %get3A_82, %add3A_105 : vector<16xi32>
        %gather3A_107 = tpu.vector_load_idx %arg10[%add3A_106] : memref<40960xf32, #tpu.memory_space<vmem>>[vector<16xi32>], vector<16xf32>,
        %add3A_108 = arith.constant 10240 : i32
        %add3A_109 = vector.broadcast %add3A_108 : i32 to vector<16xi32>
        %add3A_110 = arith.addi %get3A_84, %add3A_109 : vector<16xi32>
        %mul3A_111 = arith.mulf %gather3A_107, %exp3A : vector<16xf32>
        tpu.vector_store_idx %arg11[%add3A_110], %mul3A_111 {add = true} : memref<40960xf32, #tpu.memory_space<vmem>>[vector<16xi32>], vector<16xf32>,
        %add3A_112 = arith.constant 20480 : i32
        %add3A_113 = vector.broadcast %add3A_112 : i32 to vector<16xi32>
        %add3A_114 = arith.addi %get3A_82, %add3A_113 : vector<16xi32>
        %gather3A_115 = tpu.vector_load_idx %arg10[%add3A_114] : memref<40960xf32, #tpu.memory_space<vmem>>[vector<16xi32>], vector<16xf32>,
        %add3A_116 = arith.constant 20480 : i32
        %add3A_117 = vector.broadcast %add3A_116 : i32 to vector<16xi32>
        %add3A_118 = arith.addi %get3A_84, %add3A_117 : vector<16xi32>
        %mul3A_119 = arith.mulf %gather3A_115, %exp3A : vector<16xf32>
        tpu.vector_store_idx %arg11[%add3A_118], %mul3A_119 {add = true} : memref<40960xf32, #tpu.memory_space<vmem>>[vector<16xi32>], vector<16xf32>,
        %add3A_120 = arith.constant 30720 : i32
        %add3A_121 = vector.broadcast %add3A_120 : i32 to vector<16xi32>
        %add3A_122 = arith.addi %get3A_82, %add3A_121 : vector<16xi32>
        %gather3A_123 = tpu.vector_load_idx %arg10[%add3A_122] : memref<40960xf32, #tpu.memory_space<vmem>>[vector<16xi32>], vector<16xf32>,
        %add3A_124 = arith.constant 30720 : i32
        %add3A_125 = vector.broadcast %add3A_124 : i32 to vector<16xi32>
        %add3A_126 = arith.addi %get3A_84, %add3A_125 : vector<16xi32>
        %mul3A_127 = arith.mulf %gather3A_123, %exp3A : vector<16xf32>
        tpu.vector_store_idx %arg11[%add3A_126], %mul3A_127 {add = true} : memref<40960xf32, #tpu.memory_space<vmem>>[vector<16xi32>], vector<16xf32>,
        %scan3A_128 = arith.constant 0 : i32
        scf.yield %scan3A_128 : i32
      }
      %scan3A_75 = arith.constant 160 : i32
      %scan3A_76 = arith.constant 0 : i32
      scf.yield %scan3A_76 : i32
    }
    %scan3A_48 = arith.constant 125 : i32
    %scan3A_49 = arith.constant 0 : i32
    %scan3A_50 = arith.constant 0 : i32
    %scan3A_51 = arith.constant 640 : i32
    %scan3A_52 = arith.addi %scan3A_50, %scan3A_51 : i32
    %scan3A_53 = arith.constant 1 : i32
    %scan3A_54 = scf.for %scan3A_58 = %scan3A_50 to %scan3A_52 step %scan3A_53 iter_args(%scan3A_59 = %scan3A_49) -> (i32)  : i32 {
      %mul3A_60 = arith.constant 16 : i32
      %mul3A_61 = arith.muli %scan3A_58, %mul3A_60 : i32
      %get3A_62 = arith.index_cast %mul3A_61 : i32 to index
      %get3A_63 = tpu.vector_load %arg12[%get3A_62] {strides = array<i32>} : memref<10240xf32, #tpu.memory_space<vmem>>, vector<16xf32>,
      %add3A_64 = arith.constant 1.000000e-16 : f32
      %add3A_65 = vector.broadcast %add3A_64 : f32 to vector<16xf32>
      %add3A_66 = arith.addf %get3A_63, %add3A_65 : vector<16xf32>
      %div3A_67 = arith.constant 1.000000e+00 : f32
      %div3A_68 = vector.broadcast %div3A_67 : f32 to vector<16xf32>
      %div3A_69 = arith.divf %div3A_68, %add3A_66 : vector<16xf32>
      %mul3A_70 = arith.constant 16 : i32
      %mul3A_71 = arith.muli %scan3A_58, %mul3A_70 : i32
      %add3A_72 = arith.constant 0 : i32
      %add3A_73 = arith.addi %add3A_72, %mul3A_71 : i32
      %get3A_74 = arith.index_cast %add3A_73 : i32 to index
      %get3A_75 = tpu.vector_load %arg11[%get3A_74] {strides = array<i32>} : memref<40960xf32, #tpu.memory_space<vmem>>, vector<16xf32>,
      %mul3A_76 = arith.mulf %get3A_75, %div3A_69 : vector<16xf32>
      %slice3A_77 = vector.extract_strided_slice %get3A_35 {offsets = [0], sizes = [1], strides = [1]} : vector<16xf32> to vector<1xf32>
      %squeeze3A_78 = vector.extract %slice3A_77[0] : f32 from vector<1xf32>
      %add3A_79 = vector.broadcast %squeeze3A_78 : f32 to vector<16xf32>
      %add3A_80 = arith.addf %mul3A_76, %add3A_79 : vector<16xf32>
      %swap3A = arith.index_cast %add3A_73 : i32 to index
      %swap3A_81 = tpu.vector_load %arg11[%swap3A] {strides = array<i32>} : memref<40960xf32, #tpu.memory_space<vmem>>, vector<16xf32>,
      tpu.vector_store %arg11[%swap3A], %add3A_80 {strides = array<i32>} : memref<40960xf32, #tpu.memory_space<vmem>>, vector<16xf32>,
      %mul3A_82 = arith.constant 16 : i32
      %mul3A_83 = arith.muli %scan3A_58, %mul3A_82 : i32
      %add3A_84 = arith.constant 10240 : i32
      %add3A_85 = arith.addi %add3A_84, %mul3A_83 : i32
      %get3A_86 = arith.index_cast %add3A_85 : i32 to index
      %get3A_87 = tpu.vector_load %arg11[%get3A_86] {strides = array<i32>} : memref<40960xf32, #tpu.memory_space<vmem>>, vector<16xf32>,
      %mul3A_88 = arith.mulf %get3A_87, %div3A_69 : vector<16xf32>
      %slice3A_89 = vector.extract_strided_slice %get3A_35 {offsets = [1], sizes = [1], strides = [1]} : vector<16xf32> to vector<1xf32>
      %squeeze3A_90 = vector.extract %slice3A_89[0] : f32 from vector<1xf32>
      %add3A_91 = vector.broadcast %squeeze3A_90 : f32 to vector<16xf32>
      %add3A_92 = arith.addf %mul3A_88, %add3A_91 : vector<16xf32>
      %swap3A_93 = arith.index_cast %add3A_85 : i32 to index
      %swap3A_94 = tpu.vector_load %arg11[%swap3A_93] {strides = array<i32>} : memref<40960xf32, #tpu.memory_space<vmem>>, vector<16xf32>,
      tpu.vector_store %arg11[%swap3A_93], %add3A_92 {strides = array<i32>} : memref<40960xf32, #tpu.memory_space<vmem>>, vector<16xf32>,
      %mul3A_95 = arith.constant 16 : i32
      %mul3A_96 = arith.muli %scan3A_58, %mul3A_95 : i32
      %add3A_97 = arith.constant 20480 : i32
      %add3A_98 = arith.addi %add3A_97, %mul3A_96 : i32
      %get3A_99 = arith.index_cast %add3A_98 : i32 to index
      %get3A_100 = tpu.vector_load %arg11[%get3A_99] {strides = array<i32>} : memref<40960xf32, #tpu.memory_space<vmem>>, vector<16xf32>,
      %mul3A_101 = arith.mulf %get3A_100, %div3A_69 : vector<16xf32>
      %slice3A_102 = vector.extract_strided_slice %get3A_35 {offsets = [2], sizes = [1], strides = [1]} : vector<16xf32> to vector<1xf32>
      %squeeze3A_103 = vector.extract %slice3A_102[0] : f32 from vector<1xf32>
      %add3A_104 = vector.broadcast %squeeze3A_103 : f32 to vector<16xf32>
      %add3A_105 = arith.addf %mul3A_101, %add3A_104 : vector<16xf32>
      %swap3A_106 = arith.index_cast %add3A_98 : i32 to index
      %swap3A_107 = tpu.vector_load %arg11[%swap3A_106] {strides = array<i32>} : memref<40960xf32, #tpu.memory_space<vmem>>, vector<16xf32>,
      tpu.vector_store %arg11[%swap3A_106], %add3A_105 {strides = array<i32>} : memref<40960xf32, #tpu.memory_space<vmem>>, vector<16xf32>,
      %mul3A_108 = arith.constant 16 : i32
      %mul3A_109 = arith.muli %scan3A_58, %mul3A_108 : i32
      %add3A_110 = arith.constant 30720 : i32
      %add3A_111 = arith.addi %add3A_110, %mul3A_109 : i32
      %get3A_112 = arith.index_cast %add3A_111 : i32 to index
      %get3A_113 = tpu.vector_load %arg11[%get3A_112] {strides = array<i32>} : memref<40960xf32, #tpu.memory_space<vmem>>, vector<16xf32>,
      %mul3A_114 = arith.mulf %get3A_113, %div3A_69 : vector<16xf32>
      %slice3A_115 = vector.extract_strided_slice %get3A_35 {offsets = [3], sizes = [1], strides = [1]} : vector<16xf32> to vector<1xf32>
      %squeeze3A_116 = vector.extract %slice3A_115[0] : f32 from vector<1xf32>
      %add3A_117 = vector.broadcast %squeeze3A_116 : f32 to vector<16xf32>
      %add3A_118 = arith.addf %mul3A_114, %add3A_117 : vector<16xf32>
      %swap3A_119 = arith.index_cast %add3A_111 : i32 to index
      %swap3A_120 = tpu.vector_load %arg11[%swap3A_119] {strides = array<i32>} : memref<40960xf32, #tpu.memory_space<vmem>>, vector<16xf32>,
      tpu.vector_store %arg11[%swap3A_119], %add3A_118 {strides = array<i32>} : memref<40960xf32, #tpu.memory_space<vmem>>, vector<16xf32>,
      %scan3A_121 = arith.constant 0 : i32
      scf.yield %scan3A_121 : i32
    }
    %scan3A_55 = arith.constant 640 : i32
    %mul3A_56 = arith.constant 10240 : i32
    %mul3A_57 = arith.muli %mul3A_2, %mul3A_56 : i32
    "tpu.region"() ({
      %run_scoped3A = tpu.sem_alloc : memref<!tpu.dma_semaphore, #tpu.memory_space<semaphore_mem>>
      %dma_start3A = tpu.memref_slice %arg7[%mul3A_57] : memref<1310720xf32, #tpu.memory_space<hbm>> -> memref<40960xf32, #tpu.memory_space<hbm>>
      %dma_start3A_58 = tpu.memref_slice %arg7[%mul3A_57] : memref<1310720xf32, #tpu.memory_space<hbm>> -> memref<40960xf32, #tpu.memory_space<hbm>>
      tpu.enqueue_dma source(%arg11 : memref<40960xf32, #tpu.memory_space<vmem>>) target(%dma_start3A_58 : memref<40960xf32, #tpu.memory_space<hbm>>) target_semaphore(%run_scoped3A : memref<!tpu.dma_semaphore, #tpu.memory_space<semaphore_mem>>)
      %dma_wait3A = tpu.memref_slice %arg7[%mul3A_57] : memref<1310720xf32, #tpu.memory_space<hbm>> -> memref<40960xf32, #tpu.memory_space<hbm>>
      %dma_wait3A_59 = tpu.memref_slice %arg7[%mul3A_57] : memref<1310720xf32, #tpu.memory_space<hbm>> -> memref<40960xf32, #tpu.memory_space<hbm>>
      tpu.wait_dma2 semaphore(%run_scoped3A : memref<!tpu.dma_semaphore, #tpu.memory_space<semaphore_mem>>) src(%arg11 : memref<40960xf32, #tpu.memory_space<vmem>>) dst(%dma_wait3A_59 : memref<40960xf32, #tpu.memory_space<hbm>>)
      tpu.yield
    }) : () -> ()
    return
  }
}

#map = affine_map<(d0, d1) -> (0)>
module attributes {stable_mosaic.version = 14 : i64} {
  func.func @k(%arg0: i32, %arg1: i32, %arg2: memref<640000xi32, #tpu.memory_space<hbm>>, %arg3: memref<737280xf32, #tpu.memory_space<hbm>>, %arg4: memref<2560000xf32, #tpu.memory_space<hbm>>, %arg5: memref<1024xf32, #tpu.memory_space<hbm>>, %arg6: memref<80xf32, #tpu.memory_space<hbm>>, %arg7: memref<655360xf32, #tpu.memory_space<hbm>>, %arg8: memref<10240xf32, #tpu.memory_space<vmem>>, %arg9: memref<10240xf32, #tpu.memory_space<vmem>>, %arg10: memref<20480xf32, #tpu.memory_space<vmem>>, %arg11: memref<20480xf32, #tpu.memory_space<vmem>>, %arg12: memref<10240xf32, #tpu.memory_space<vmem>>, %arg13: memref<2560xi32, #tpu.memory_space<vmem>>, %arg14: memref<2560xi32, #tpu.memory_space<vmem>>, %arg15: memref<2560xf32, #tpu.memory_space<vmem>>, %arg16: memref<80xf32, #tpu.memory_space<vmem>>, %arg17: memref<16xf32, #tpu.memory_space<vmem>>) attributes {dimension_semantics = [#tpu.dimension_semantics<core_parallel>, #tpu.dimension_semantics<subcore_parallel>], iteration_bounds = array<i64: 2, 16>, scalar_prefetch = 0 : i64, scratch_operands = 10 : i64, tpu.core_type = #tpu.core_type<sc_vector_subcore>, window_params = [{transform_indices = #map}, {transform_indices = #map}, {transform_indices = #map}, {transform_indices = #map}, {transform_indices = #map}, {transform_indices = #map}]} {
    %mul3A = arith.constant 2 : i32
    %mul3A_0 = arith.muli %arg1, %mul3A : i32
    %add3A = arith.addi %mul3A_0, %arg0 : i32
    %mul3A_1 = arith.constant 2 : i32
    %mul3A_2 = arith.muli %add3A, %mul3A_1 : i32
    %jit3A = arith.constant 32 : i32
    %div3A = arith.divsi %mul3A_2, %jit3A : i32
    %sign3A = arith.constant 0 : i32
    %sign3A_3 = arith.cmpi sgt, %mul3A_2, %sign3A : i32
    %sign3A_4 = arith.extui %sign3A_3 : i1 to i32
    %sign3A_5 = arith.constant 0 : i32
    %sign3A_6 = arith.cmpi slt, %mul3A_2, %sign3A_5 : i32
    %sign3A_7 = arith.extui %sign3A_6 : i1 to i32
    %sign3A_8 = arith.subi %sign3A_4, %sign3A_7 : i32
    %sign3A_9 = arith.constant 0 : i32
    %sign3A_10 = arith.cmpi sgt, %jit3A, %sign3A_9 : i32
    %sign3A_11 = arith.extui %sign3A_10 : i1 to i32
    %sign3A_12 = arith.constant 0 : i32
    %sign3A_13 = arith.cmpi slt, %jit3A, %sign3A_12 : i32
    %sign3A_14 = arith.extui %sign3A_13 : i1 to i32
    %sign3A_15 = arith.subi %sign3A_11, %sign3A_14 : i32
    %ne3A = arith.cmpi ne, %sign3A_8, %sign3A_15 : i32
    %rem3A = arith.remsi %mul3A_2, %jit3A : i32
    %ne3A_16 = arith.constant 0 : i32
    %ne3A_17 = arith.cmpi ne, %rem3A, %ne3A_16 : i32
    %and3A = arith.andi %ne3A, %ne3A_17 : i1
    %sub3A = arith.constant 1 : i32
    %sub3A_18 = arith.subi %div3A, %sub3A : i32
    %select_n3A = arith.select %and3A, %sub3A_18, %div3A : i32
    %add3A_19 = arith.constant 64 : i32
    %add3A_20 = arith.addi %add3A_19, %select_n3A : i32
    %mul3A_21 = arith.constant 10240 : i32
    %mul3A_22 = arith.muli %add3A_20, %mul3A_21 : i32
    "tpu.region"() ({
      %run_scoped3A = tpu.sem_alloc : memref<!tpu.dma_semaphore, #tpu.memory_space<semaphore_mem>>
      %dma_start3A = tpu.memref_slice %arg3[%mul3A_22] : memref<737280xf32, #tpu.memory_space<hbm>> -> memref<10240xf32, #tpu.memory_space<hbm>>
      %dma_start3A_58 = tpu.memref_slice %arg3[%mul3A_22] : memref<737280xf32, #tpu.memory_space<hbm>> -> memref<10240xf32, #tpu.memory_space<hbm>>
      tpu.enqueue_dma source(%dma_start3A_58 : memref<10240xf32, #tpu.memory_space<hbm>>) target(%arg8 : memref<10240xf32, #tpu.memory_space<vmem>>) target_semaphore(%run_scoped3A : memref<!tpu.dma_semaphore, #tpu.memory_space<semaphore_mem>>)
      %dma_wait3A = tpu.memref_slice %arg3[%mul3A_22] : memref<737280xf32, #tpu.memory_space<hbm>> -> memref<10240xf32, #tpu.memory_space<hbm>>
      %dma_wait3A_59 = tpu.memref_slice %arg3[%mul3A_22] : memref<737280xf32, #tpu.memory_space<hbm>> -> memref<10240xf32, #tpu.memory_space<hbm>>
      tpu.wait_dma2 semaphore(%run_scoped3A : memref<!tpu.dma_semaphore, #tpu.memory_space<semaphore_mem>>) src(%dma_wait3A_59 : memref<10240xf32, #tpu.memory_space<hbm>>) dst(%arg8 : memref<10240xf32, #tpu.memory_space<vmem>>)
      tpu.yield
    }) : () -> ()
    %add3A_23 = arith.constant 66 : i32
    %add3A_24 = arith.addi %add3A_23, %select_n3A : i32
    %mul3A_25 = arith.constant 10240 : i32
    %mul3A_26 = arith.muli %add3A_24, %mul3A_25 : i32
    "tpu.region"() ({
      %run_scoped3A = tpu.sem_alloc : memref<!tpu.dma_semaphore, #tpu.memory_space<semaphore_mem>>
      %dma_start3A = tpu.memref_slice %arg3[%mul3A_26] : memref<737280xf32, #tpu.memory_space<hbm>> -> memref<10240xf32, #tpu.memory_space<hbm>>
      %dma_start3A_58 = tpu.memref_slice %arg3[%mul3A_26] : memref<737280xf32, #tpu.memory_space<hbm>> -> memref<10240xf32, #tpu.memory_space<hbm>>
      tpu.enqueue_dma source(%dma_start3A_58 : memref<10240xf32, #tpu.memory_space<hbm>>) target(%arg9 : memref<10240xf32, #tpu.memory_space<vmem>>) target_semaphore(%run_scoped3A : memref<!tpu.dma_semaphore, #tpu.memory_space<semaphore_mem>>)
      %dma_wait3A = tpu.memref_slice %arg3[%mul3A_26] : memref<737280xf32, #tpu.memory_space<hbm>> -> memref<10240xf32, #tpu.memory_space<hbm>>
      %dma_wait3A_59 = tpu.memref_slice %arg3[%mul3A_26] : memref<737280xf32, #tpu.memory_space<hbm>> -> memref<10240xf32, #tpu.memory_space<hbm>>
      tpu.wait_dma2 semaphore(%run_scoped3A : memref<!tpu.dma_semaphore, #tpu.memory_space<semaphore_mem>>) src(%dma_wait3A_59 : memref<10240xf32, #tpu.memory_space<hbm>>) dst(%arg9 : memref<10240xf32, #tpu.memory_space<vmem>>)
      tpu.yield
    }) : () -> ()
    %mul3A_27 = arith.constant 10240 : i32
    %mul3A_28 = arith.muli %mul3A_2, %mul3A_27 : i32
    "tpu.region"() ({
      %run_scoped3A = tpu.sem_alloc : memref<!tpu.dma_semaphore, #tpu.memory_space<semaphore_mem>>
      %dma_start3A = tpu.memref_slice %arg3[%mul3A_28] : memref<737280xf32, #tpu.memory_space<hbm>> -> memref<20480xf32, #tpu.memory_space<hbm>>
      %dma_start3A_58 = tpu.memref_slice %arg3[%mul3A_28] : memref<737280xf32, #tpu.memory_space<hbm>> -> memref<20480xf32, #tpu.memory_space<hbm>>
      tpu.enqueue_dma source(%dma_start3A_58 : memref<20480xf32, #tpu.memory_space<hbm>>) target(%arg10 : memref<20480xf32, #tpu.memory_space<vmem>>) target_semaphore(%run_scoped3A : memref<!tpu.dma_semaphore, #tpu.memory_space<semaphore_mem>>)
      %dma_wait3A = tpu.memref_slice %arg3[%mul3A_28] : memref<737280xf32, #tpu.memory_space<hbm>> -> memref<20480xf32, #tpu.memory_space<hbm>>
      %dma_wait3A_59 = tpu.memref_slice %arg3[%mul3A_28] : memref<737280xf32, #tpu.memory_space<hbm>> -> memref<20480xf32, #tpu.memory_space<hbm>>
      tpu.wait_dma2 semaphore(%run_scoped3A : memref<!tpu.dma_semaphore, #tpu.memory_space<semaphore_mem>>) src(%dma_wait3A_59 : memref<20480xf32, #tpu.memory_space<hbm>>) dst(%arg10 : memref<20480xf32, #tpu.memory_space<vmem>>)
      tpu.yield
    }) : () -> ()
    "tpu.region"() ({
      %run_scoped3A = tpu.sem_alloc : memref<!tpu.dma_semaphore, #tpu.memory_space<semaphore_mem>>
      tpu.enqueue_dma source(%arg6 : memref<80xf32, #tpu.memory_space<hbm>>) target(%arg16 : memref<80xf32, #tpu.memory_space<vmem>>) target_semaphore(%run_scoped3A : memref<!tpu.dma_semaphore, #tpu.memory_space<semaphore_mem>>)
      tpu.wait_dma2 semaphore(%run_scoped3A : memref<!tpu.dma_semaphore, #tpu.memory_space<semaphore_mem>>) src(%arg6 : memref<80xf32, #tpu.memory_space<hbm>>) dst(%arg16 : memref<80xf32, #tpu.memory_space<vmem>>)
      tpu.yield
    }) : () -> ()
    %add3A_29 = arith.constant 0 : i32
    %add3A_30 = arith.addi %add3A_29, %select_n3A : i32
    %mul3A_31 = arith.constant 128 : i32
    %mul3A_32 = arith.muli %add3A_30, %mul3A_31 : i32
    "tpu.region"() ({
      %run_scoped3A = tpu.sem_alloc : memref<!tpu.dma_semaphore, #tpu.memory_space<semaphore_mem>>
      %dma_start3A = tpu.memref_slice %arg5[%mul3A_32] : memref<1024xf32, #tpu.memory_space<hbm>> -> memref<16xf32, #tpu.memory_space<hbm>>
      %dma_start3A_58 = tpu.memref_slice %arg5[%mul3A_32] : memref<1024xf32, #tpu.memory_space<hbm>> -> memref<16xf32, #tpu.memory_space<hbm>>
      tpu.enqueue_dma source(%dma_start3A_58 : memref<16xf32, #tpu.memory_space<hbm>>) target(%arg17 : memref<16xf32, #tpu.memory_space<vmem>>) target_semaphore(%run_scoped3A : memref<!tpu.dma_semaphore, #tpu.memory_space<semaphore_mem>>)
      %dma_wait3A = tpu.memref_slice %arg5[%mul3A_32] : memref<1024xf32, #tpu.memory_space<hbm>> -> memref<16xf32, #tpu.memory_space<hbm>>
      %dma_wait3A_59 = tpu.memref_slice %arg5[%mul3A_32] : memref<1024xf32, #tpu.memory_space<hbm>> -> memref<16xf32, #tpu.memory_space<hbm>>
      tpu.wait_dma2 semaphore(%run_scoped3A : memref<!tpu.dma_semaphore, #tpu.memory_space<semaphore_mem>>) src(%dma_wait3A_59 : memref<16xf32, #tpu.memory_space<hbm>>) dst(%arg17 : memref<16xf32, #tpu.memory_space<vmem>>)
      tpu.yield
    }) : () -> ()
    %get3A = arith.constant 0 : index
    %get3A_33 = tpu.vector_load %arg17[%get3A] {strides = array<i32>} : memref<16xf32, #tpu.memory_space<vmem>>, vector<16xf32>,
    %slice3A = vector.extract_strided_slice %get3A_33 {offsets = [0], sizes = [1], strides = [1]} : vector<16xf32> to vector<1xf32>
    %squeeze3A = vector.extract %slice3A[0] : f32 from vector<1xf32>
    %get3A_34 = arith.index_cast %mul3A_2 : i32 to index
    %get3A_35 = tpu.vector_load %arg16[%get3A_34] {strides = array<i32>} : memref<80xf32, #tpu.memory_space<vmem>>, vector<16xf32>,
    %scan3A = arith.constant 0 : i32
    %scan3A_36 = arith.constant 0 : i32
    %scan3A_37 = arith.constant 640 : i32
    %scan3A_38 = arith.addi %scan3A_36, %scan3A_37 : i32
    %scan3A_39 = arith.constant 1 : i32
    %scan3A_40 = scf.for %scan3A_58 = %scan3A_36 to %scan3A_38 step %scan3A_39 iter_args(%scan3A_59 = %scan3A) -> (i32)  : i32 {
      %mul3A_60 = arith.constant 16 : i32
      %mul3A_61 = arith.muli %scan3A_58, %mul3A_60 : i32
      %get3A_62 = arith.index_cast %mul3A_61 : i32 to index
      %get3A_63 = tpu.vector_load %arg8[%get3A_62] {strides = array<i32>} : memref<10240xf32, #tpu.memory_space<vmem>>, vector<16xf32>,
      %get3A_64 = arith.index_cast %mul3A_61 : i32 to index
      %get3A_65 = tpu.vector_load %arg9[%get3A_64] {strides = array<i32>} : memref<10240xf32, #tpu.memory_space<vmem>>, vector<16xf32>,
      %add3A_66 = arith.addf %get3A_63, %get3A_65 : vector<16xf32>
      %add3A_67 = vector.broadcast %squeeze3A : f32 to vector<16xf32>
      %add3A_68 = arith.addf %add3A_66, %add3A_67 : vector<16xf32>
      %ge3A = arith.constant 0.000000e+00 : f32
      %ge3A_69 = vector.broadcast %ge3A : f32 to vector<16xf32>
      %ge3A_70 = arith.cmpf oge, %add3A_68, %ge3A_69 : vector<16xf32>
      %mul3A_71 = arith.constant 2.000000e-01 : f32
      %mul3A_72 = vector.broadcast %mul3A_71 : f32 to vector<16xf32>
      %mul3A_73 = arith.mulf %add3A_68, %mul3A_72 : vector<16xf32>
      %select_n3A_74 = arith.select %ge3A_70, %add3A_68, %mul3A_73 : vector<16xi1>, vector<16xf32>
      %exp3A = math.exp %select_n3A_74 : vector<16xf32>
      %swap3A = arith.index_cast %mul3A_61 : i32 to index
      %swap3A_75 = tpu.vector_load %arg12[%swap3A] {strides = array<i32>} : memref<10240xf32, #tpu.memory_space<vmem>>, vector<16xf32>,
      tpu.vector_store %arg12[%swap3A], %exp3A {strides = array<i32>} : memref<10240xf32, #tpu.memory_space<vmem>>, vector<16xf32>,
      %mul3A_76 = arith.constant 16 : i32
      %mul3A_77 = arith.muli %scan3A_58, %mul3A_76 : i32
      %add3A_78 = arith.constant 0 : i32
      %add3A_79 = arith.addi %add3A_78, %mul3A_77 : i32
      %get3A_80 = arith.index_cast %add3A_79 : i32 to index
      %get3A_81 = tpu.vector_load %arg10[%get3A_80] {strides = array<i32>} : memref<20480xf32, #tpu.memory_space<vmem>>, vector<16xf32>,
      %mul3A_82 = arith.mulf %exp3A, %get3A_81 : vector<16xf32>
      %swap3A_83 = arith.index_cast %add3A_79 : i32 to index
      %swap3A_84 = tpu.vector_load %arg11[%swap3A_83] {strides = array<i32>} : memref<20480xf32, #tpu.memory_space<vmem>>, vector<16xf32>,
      tpu.vector_store %arg11[%swap3A_83], %mul3A_82 {strides = array<i32>} : memref<20480xf32, #tpu.memory_space<vmem>>, vector<16xf32>,
      %mul3A_85 = arith.constant 16 : i32
      %mul3A_86 = arith.muli %scan3A_58, %mul3A_85 : i32
      %add3A_87 = arith.constant 10240 : i32
      %add3A_88 = arith.addi %add3A_87, %mul3A_86 : i32
      %get3A_89 = arith.index_cast %add3A_88 : i32 to index
      %get3A_90 = tpu.vector_load %arg10[%get3A_89] {strides = array<i32>} : memref<20480xf32, #tpu.memory_space<vmem>>, vector<16xf32>,
      %mul3A_91 = arith.mulf %exp3A, %get3A_90 : vector<16xf32>
      %swap3A_92 = arith.index_cast %add3A_88 : i32 to index
      %swap3A_93 = tpu.vector_load %arg11[%swap3A_92] {strides = array<i32>} : memref<20480xf32, #tpu.memory_space<vmem>>, vector<16xf32>,
      tpu.vector_store %arg11[%swap3A_92], %mul3A_91 {strides = array<i32>} : memref<20480xf32, #tpu.memory_space<vmem>>, vector<16xf32>,
      %scan3A_94 = arith.constant 0 : i32
      scf.yield %scan3A_94 : i32
    }
    %scan3A_41 = arith.constant 640 : i32
    %scan3A_42 = arith.constant 0 : i32
    %scan3A_43 = arith.constant 0 : i32
    %scan3A_44 = arith.constant 125 : i32
    %scan3A_45 = arith.addi %scan3A_43, %scan3A_44 : i32
    %scan3A_46 = arith.constant 1 : i32
    %scan3A_47 = scf.for %scan3A_58 = %scan3A_43 to %scan3A_45 step %scan3A_46 iter_args(%scan3A_59 = %scan3A_42) -> (i32)  : i32 {
      %mul3A_60 = arith.constant 2560 : i32
      %mul3A_61 = arith.muli %scan3A_58, %mul3A_60 : i32
      "tpu.region"() ({
        %run_scoped3A = tpu.sem_alloc : memref<!tpu.dma_semaphore, #tpu.memory_space<semaphore_mem>>
        %dma_start3A = tpu.memref_slice %arg2[%mul3A_61] : memref<640000xi32, #tpu.memory_space<hbm>> -> memref<2560xi32, #tpu.memory_space<hbm>>
        %dma_start3A_77 = tpu.memref_slice %arg2[%mul3A_61] : memref<640000xi32, #tpu.memory_space<hbm>> -> memref<2560xi32, #tpu.memory_space<hbm>>
        tpu.enqueue_dma source(%dma_start3A_77 : memref<2560xi32, #tpu.memory_space<hbm>>) target(%arg13 : memref<2560xi32, #tpu.memory_space<vmem>>) target_semaphore(%run_scoped3A : memref<!tpu.dma_semaphore, #tpu.memory_space<semaphore_mem>>)
        %dma_wait3A = tpu.memref_slice %arg2[%mul3A_61] : memref<640000xi32, #tpu.memory_space<hbm>> -> memref<2560xi32, #tpu.memory_space<hbm>>
        %dma_wait3A_78 = tpu.memref_slice %arg2[%mul3A_61] : memref<640000xi32, #tpu.memory_space<hbm>> -> memref<2560xi32, #tpu.memory_space<hbm>>
        tpu.wait_dma2 semaphore(%run_scoped3A : memref<!tpu.dma_semaphore, #tpu.memory_space<semaphore_mem>>) src(%dma_wait3A_78 : memref<2560xi32, #tpu.memory_space<hbm>>) dst(%arg13 : memref<2560xi32, #tpu.memory_space<vmem>>)
        tpu.yield
      }) : () -> ()
      %add3A_62 = arith.constant 320000 : i32
      %add3A_63 = arith.addi %add3A_62, %mul3A_61 : i32
      "tpu.region"() ({
        %run_scoped3A = tpu.sem_alloc : memref<!tpu.dma_semaphore, #tpu.memory_space<semaphore_mem>>
        %dma_start3A = tpu.memref_slice %arg2[%add3A_63] : memref<640000xi32, #tpu.memory_space<hbm>> -> memref<2560xi32, #tpu.memory_space<hbm>>
        %dma_start3A_77 = tpu.memref_slice %arg2[%add3A_63] : memref<640000xi32, #tpu.memory_space<hbm>> -> memref<2560xi32, #tpu.memory_space<hbm>>
        tpu.enqueue_dma source(%dma_start3A_77 : memref<2560xi32, #tpu.memory_space<hbm>>) target(%arg14 : memref<2560xi32, #tpu.memory_space<vmem>>) target_semaphore(%run_scoped3A : memref<!tpu.dma_semaphore, #tpu.memory_space<semaphore_mem>>)
        %dma_wait3A = tpu.memref_slice %arg2[%add3A_63] : memref<640000xi32, #tpu.memory_space<hbm>> -> memref<2560xi32, #tpu.memory_space<hbm>>
        %dma_wait3A_78 = tpu.memref_slice %arg2[%add3A_63] : memref<640000xi32, #tpu.memory_space<hbm>> -> memref<2560xi32, #tpu.memory_space<hbm>>
        tpu.wait_dma2 semaphore(%run_scoped3A : memref<!tpu.dma_semaphore, #tpu.memory_space<semaphore_mem>>) src(%dma_wait3A_78 : memref<2560xi32, #tpu.memory_space<hbm>>) dst(%arg14 : memref<2560xi32, #tpu.memory_space<vmem>>)
        tpu.yield
      }) : () -> ()
      %add3A_64 = arith.constant 0 : i32
      %add3A_65 = arith.addi %add3A_64, %select_n3A : i32
      %mul3A_66 = arith.constant 320000 : i32
      %mul3A_67 = arith.muli %add3A_65, %mul3A_66 : i32
      %add3A_68 = arith.addi %mul3A_67, %mul3A_61 : i32
      "tpu.region"() ({
        %run_scoped3A = tpu.sem_alloc : memref<!tpu.dma_semaphore, #tpu.memory_space<semaphore_mem>>
        %dma_start3A = tpu.memref_slice %arg4[%add3A_68] : memref<2560000xf32, #tpu.memory_space<hbm>> -> memref<2560xf32, #tpu.memory_space<hbm>>
        %dma_start3A_77 = tpu.memref_slice %arg4[%add3A_68] : memref<2560000xf32, #tpu.memory_space<hbm>> -> memref<2560xf32, #tpu.memory_space<hbm>>
        tpu.enqueue_dma source(%dma_start3A_77 : memref<2560xf32, #tpu.memory_space<hbm>>) target(%arg15 : memref<2560xf32, #tpu.memory_space<vmem>>) target_semaphore(%run_scoped3A : memref<!tpu.dma_semaphore, #tpu.memory_space<semaphore_mem>>)
        %dma_wait3A = tpu.memref_slice %arg4[%add3A_68] : memref<2560000xf32, #tpu.memory_space<hbm>> -> memref<2560xf32, #tpu.memory_space<hbm>>
        %dma_wait3A_78 = tpu.memref_slice %arg4[%add3A_68] : memref<2560000xf32, #tpu.memory_space<hbm>> -> memref<2560xf32, #tpu.memory_space<hbm>>
        tpu.wait_dma2 semaphore(%run_scoped3A : memref<!tpu.dma_semaphore, #tpu.memory_space<semaphore_mem>>) src(%dma_wait3A_78 : memref<2560xf32, #tpu.memory_space<hbm>>) dst(%arg15 : memref<2560xf32, #tpu.memory_space<vmem>>)
        tpu.yield
      }) : () -> ()
      %scan3A_69 = arith.constant 0 : i32
      %scan3A_70 = arith.constant 0 : i32
      %scan3A_71 = arith.constant 160 : i32
      %scan3A_72 = arith.addi %scan3A_70, %scan3A_71 : i32
      %scan3A_73 = arith.constant 1 : i32
      %scan3A_74 = scf.for %scan3A_77 = %scan3A_70 to %scan3A_72 step %scan3A_73 iter_args(%scan3A_78 = %scan3A_69) -> (i32)  : i32 {
        %mul3A_79 = arith.constant 16 : i32
        %mul3A_80 = arith.muli %scan3A_77, %mul3A_79 : i32
        %get3A_81 = arith.index_cast %mul3A_80 : i32 to index
        %get3A_82 = tpu.vector_load %arg13[%get3A_81] {strides = array<i32>} : memref<2560xi32, #tpu.memory_space<vmem>>, vector<16xi32>,
        %get3A_83 = arith.index_cast %mul3A_80 : i32 to index
        %get3A_84 = tpu.vector_load %arg14[%get3A_83] {strides = array<i32>} : memref<2560xi32, #tpu.memory_space<vmem>>, vector<16xi32>,
        %gather3A = tpu.vector_load_idx %arg8[%get3A_82] : memref<10240xf32, #tpu.memory_space<vmem>>[vector<16xi32>], vector<16xf32>,
        %gather3A_85 = tpu.vector_load_idx %arg9[%get3A_84] : memref<10240xf32, #tpu.memory_space<vmem>>[vector<16xi32>], vector<16xf32>,
        %add3A_86 = arith.addf %gather3A, %gather3A_85 : vector<16xf32>
        %get3A_87 = arith.index_cast %mul3A_80 : i32 to index
        %get3A_88 = tpu.vector_load %arg15[%get3A_87] {strides = array<i32>} : memref<2560xf32, #tpu.memory_space<vmem>>, vector<16xf32>,
        %add3A_89 = arith.addf %add3A_86, %get3A_88 : vector<16xf32>
        %ge3A = arith.constant 0.000000e+00 : f32
        %ge3A_90 = vector.broadcast %ge3A : f32 to vector<16xf32>
        %ge3A_91 = arith.cmpf oge, %add3A_89, %ge3A_90 : vector<16xf32>
        %mul3A_92 = arith.constant 2.000000e-01 : f32
        %mul3A_93 = vector.broadcast %mul3A_92 : f32 to vector<16xf32>
        %mul3A_94 = arith.mulf %add3A_89, %mul3A_93 : vector<16xf32>
        %select_n3A_95 = arith.select %ge3A_91, %add3A_89, %mul3A_94 : vector<16xi1>, vector<16xf32>
        %exp3A = math.exp %select_n3A_95 : vector<16xf32>
        tpu.vector_store_idx %arg12[%get3A_84], %exp3A {add = true} : memref<10240xf32, #tpu.memory_space<vmem>>[vector<16xi32>], vector<16xf32>,
        %add3A_96 = arith.constant 0 : i32
        %add3A_97 = vector.broadcast %add3A_96 : i32 to vector<16xi32>
        %add3A_98 = arith.addi %get3A_82, %add3A_97 : vector<16xi32>
        %gather3A_99 = tpu.vector_load_idx %arg10[%add3A_98] : memref<20480xf32, #tpu.memory_space<vmem>>[vector<16xi32>], vector<16xf32>,
        %add3A_100 = arith.constant 0 : i32
        %add3A_101 = vector.broadcast %add3A_100 : i32 to vector<16xi32>
        %add3A_102 = arith.addi %get3A_84, %add3A_101 : vector<16xi32>
        %mul3A_103 = arith.mulf %gather3A_99, %exp3A : vector<16xf32>
        tpu.vector_store_idx %arg11[%add3A_102], %mul3A_103 {add = true} : memref<20480xf32, #tpu.memory_space<vmem>>[vector<16xi32>], vector<16xf32>,
        %add3A_104 = arith.constant 10240 : i32
        %add3A_105 = vector.broadcast %add3A_104 : i32 to vector<16xi32>
        %add3A_106 = arith.addi %get3A_82, %add3A_105 : vector<16xi32>
        %gather3A_107 = tpu.vector_load_idx %arg10[%add3A_106] : memref<20480xf32, #tpu.memory_space<vmem>>[vector<16xi32>], vector<16xf32>,
        %add3A_108 = arith.constant 10240 : i32
        %add3A_109 = vector.broadcast %add3A_108 : i32 to vector<16xi32>
        %add3A_110 = arith.addi %get3A_84, %add3A_109 : vector<16xi32>
        %mul3A_111 = arith.mulf %gather3A_107, %exp3A : vector<16xf32>
        tpu.vector_store_idx %arg11[%add3A_110], %mul3A_111 {add = true} : memref<20480xf32, #tpu.memory_space<vmem>>[vector<16xi32>], vector<16xf32>,
        %scan3A_112 = arith.constant 0 : i32
        scf.yield %scan3A_112 : i32
      }
      %scan3A_75 = arith.constant 160 : i32
      %scan3A_76 = arith.constant 0 : i32
      scf.yield %scan3A_76 : i32
    }
    %scan3A_48 = arith.constant 125 : i32
    %scan3A_49 = arith.constant 0 : i32
    %scan3A_50 = arith.constant 0 : i32
    %scan3A_51 = arith.constant 640 : i32
    %scan3A_52 = arith.addi %scan3A_50, %scan3A_51 : i32
    %scan3A_53 = arith.constant 1 : i32
    %scan3A_54 = scf.for %scan3A_58 = %scan3A_50 to %scan3A_52 step %scan3A_53 iter_args(%scan3A_59 = %scan3A_49) -> (i32)  : i32 {
      %mul3A_60 = arith.constant 16 : i32
      %mul3A_61 = arith.muli %scan3A_58, %mul3A_60 : i32
      %get3A_62 = arith.index_cast %mul3A_61 : i32 to index
      %get3A_63 = tpu.vector_load %arg12[%get3A_62] {strides = array<i32>} : memref<10240xf32, #tpu.memory_space<vmem>>, vector<16xf32>,
      %add3A_64 = arith.constant 1.000000e-16 : f32
      %add3A_65 = vector.broadcast %add3A_64 : f32 to vector<16xf32>
      %add3A_66 = arith.addf %get3A_63, %add3A_65 : vector<16xf32>
      %div3A_67 = arith.constant 1.000000e+00 : f32
      %div3A_68 = vector.broadcast %div3A_67 : f32 to vector<16xf32>
      %div3A_69 = arith.divf %div3A_68, %add3A_66 : vector<16xf32>
      %mul3A_70 = arith.constant 16 : i32
      %mul3A_71 = arith.muli %scan3A_58, %mul3A_70 : i32
      %add3A_72 = arith.constant 0 : i32
      %add3A_73 = arith.addi %add3A_72, %mul3A_71 : i32
      %get3A_74 = arith.index_cast %add3A_73 : i32 to index
      %get3A_75 = tpu.vector_load %arg11[%get3A_74] {strides = array<i32>} : memref<20480xf32, #tpu.memory_space<vmem>>, vector<16xf32>,
      %mul3A_76 = arith.mulf %get3A_75, %div3A_69 : vector<16xf32>
      %slice3A_77 = vector.extract_strided_slice %get3A_35 {offsets = [0], sizes = [1], strides = [1]} : vector<16xf32> to vector<1xf32>
      %squeeze3A_78 = vector.extract %slice3A_77[0] : f32 from vector<1xf32>
      %add3A_79 = vector.broadcast %squeeze3A_78 : f32 to vector<16xf32>
      %add3A_80 = arith.addf %mul3A_76, %add3A_79 : vector<16xf32>
      %swap3A = arith.index_cast %add3A_73 : i32 to index
      %swap3A_81 = tpu.vector_load %arg11[%swap3A] {strides = array<i32>} : memref<20480xf32, #tpu.memory_space<vmem>>, vector<16xf32>,
      tpu.vector_store %arg11[%swap3A], %add3A_80 {strides = array<i32>} : memref<20480xf32, #tpu.memory_space<vmem>>, vector<16xf32>,
      %mul3A_82 = arith.constant 16 : i32
      %mul3A_83 = arith.muli %scan3A_58, %mul3A_82 : i32
      %add3A_84 = arith.constant 10240 : i32
      %add3A_85 = arith.addi %add3A_84, %mul3A_83 : i32
      %get3A_86 = arith.index_cast %add3A_85 : i32 to index
      %get3A_87 = tpu.vector_load %arg11[%get3A_86] {strides = array<i32>} : memref<20480xf32, #tpu.memory_space<vmem>>, vector<16xf32>,
      %mul3A_88 = arith.mulf %get3A_87, %div3A_69 : vector<16xf32>
      %slice3A_89 = vector.extract_strided_slice %get3A_35 {offsets = [1], sizes = [1], strides = [1]} : vector<16xf32> to vector<1xf32>
      %squeeze3A_90 = vector.extract %slice3A_89[0] : f32 from vector<1xf32>
      %add3A_91 = vector.broadcast %squeeze3A_90 : f32 to vector<16xf32>
      %add3A_92 = arith.addf %mul3A_88, %add3A_91 : vector<16xf32>
      %swap3A_93 = arith.index_cast %add3A_85 : i32 to index
      %swap3A_94 = tpu.vector_load %arg11[%swap3A_93] {strides = array<i32>} : memref<20480xf32, #tpu.memory_space<vmem>>, vector<16xf32>,
      tpu.vector_store %arg11[%swap3A_93], %add3A_92 {strides = array<i32>} : memref<20480xf32, #tpu.memory_space<vmem>>, vector<16xf32>,
      %scan3A_95 = arith.constant 0 : i32
      scf.yield %scan3A_95 : i32
    }
    %scan3A_55 = arith.constant 640 : i32
    %mul3A_56 = arith.constant 10240 : i32
    %mul3A_57 = arith.muli %mul3A_2, %mul3A_56 : i32
    "tpu.region"() ({
      %run_scoped3A = tpu.sem_alloc : memref<!tpu.dma_semaphore, #tpu.memory_space<semaphore_mem>>
      %dma_start3A = tpu.memref_slice %arg7[%mul3A_57] : memref<655360xf32, #tpu.memory_space<hbm>> -> memref<20480xf32, #tpu.memory_space<hbm>>
      %dma_start3A_58 = tpu.memref_slice %arg7[%mul3A_57] : memref<655360xf32, #tpu.memory_space<hbm>> -> memref<20480xf32, #tpu.memory_space<hbm>>
      tpu.enqueue_dma source(%arg11 : memref<20480xf32, #tpu.memory_space<vmem>>) target(%dma_start3A_58 : memref<20480xf32, #tpu.memory_space<hbm>>) target_semaphore(%run_scoped3A : memref<!tpu.dma_semaphore, #tpu.memory_space<semaphore_mem>>)
      %dma_wait3A = tpu.memref_slice %arg7[%mul3A_57] : memref<655360xf32, #tpu.memory_space<hbm>> -> memref<20480xf32, #tpu.memory_space<hbm>>
      %dma_wait3A_59 = tpu.memref_slice %arg7[%mul3A_57] : memref<655360xf32, #tpu.memory_space<hbm>> -> memref<20480xf32, #tpu.memory_space<hbm>>
      tpu.wait_dma2 semaphore(%run_scoped3A : memref<!tpu.dma_semaphore, #tpu.memory_space<semaphore_mem>>) src(%arg11 : memref<20480xf32, #tpu.memory_space<vmem>>) dst(%dma_wait3A_59 : memref<20480xf32, #tpu.memory_space<hbm>>)
      tpu.yield
    }) : () -> ()
    return
  }
}

module attributes {stable_mosaic.version = 14 : i64} {
  func.func @_edge_kernel(%arg0: i32, %arg1: memref<16x8xf32, #tpu.memory_space<vmem>>, %arg2: memref<2560x16xf32, #tpu.memory_space<vmem>>, %arg3: memref<8x2560xf32, #tpu.memory_space<vmem>>, %arg4: memref<8x128xf32, #tpu.memory_space<vmem>>) attributes {dimension_semantics = [#tpu.dimension_semantics<arbitrary>], iteration_bounds = array<i64: 125>, scalar_prefetch = 0 : i64, scratch_operands = 0 : i64, tpu.core_type = #tpu.core_type<tc>, window_params = [{pipeline_mode = #tpu.pipeline_mode<synchronous>, transform_indices = @transform_0, window_bounds = array<i64: 16, 8>}, {transform_indices = @transform_1, window_bounds = array<i64: 2560, 16>}, {transform_indices = @transform_2, window_bounds = array<i64: 8, 2560>}, {pipeline_mode = #tpu.pipeline_mode<synchronous>, transform_indices = @transform_3, window_bounds = array<i64: 8, 128>}]} {
    %get3A = arith.constant 0 : index
    %get3A_0 = arith.constant 0 : index
    %get3A_1 = vector.load %arg1[%get3A, %get3A_0] : memref<16x8xf32, #tpu.memory_space<vmem>>, vector<16x8xf32>
    %get3A_2 = arith.constant 0 : index
    %get3A_3 = arith.constant 0 : index
    %get3A_4 = vector.load %arg2[%get3A_2, %get3A_3] : memref<2560x16xf32, #tpu.memory_space<vmem>>, vector<2560x16xf32>
    %dot_general3A = arith.constant dense<0.000000e+00> : vector<8x2560xf32>
    %dot_general3A_5 = tpu.matmul %get3A_1, %get3A_4, %dot_general3A {dimension_numbers = #tpu.dot_dimension_numbers<[0], [1], [1], [0], [0, 1, 1, 0], [], []>, transpose_lhs_hint = false} : vector<16x8xf32>, vector<2560x16xf32>, vector<8x2560xf32> -> vector<8x2560xf32>
    %swap3A = arith.constant 0 : index
    %swap3A_6 = arith.constant 0 : index
    %swap3A_7 = vector.load %arg3[%swap3A, %swap3A_6] : memref<8x2560xf32, #tpu.memory_space<vmem>>, vector<8x2560xf32>
    tpu.vector_store %arg3[%swap3A, %swap3A_6], %dot_general3A_5 {strides = array<i32>} : memref<8x2560xf32, #tpu.memory_space<vmem>>, vector<8x2560xf32>,
    %eq3A = arith.constant 0 : i32
    %eq3A_8 = arith.cmpi eq, %arg0, %eq3A : i32
    %convert_element_type3A = arith.extui %eq3A_8 : i1 to i32
    %cond3A = arith.constant 0 : i32
    %cond3A_9 = arith.cmpi ne, %convert_element_type3A, %cond3A : i32
    scf.if %cond3A_9 {
      %broadcast_in_dim3A_24 = arith.constant 0.000000e+00 : f32
      %broadcast_in_dim3A_25 = vector.broadcast %broadcast_in_dim3A_24 : f32 to vector<8x128xf32>
      %swap3A_26 = arith.constant 0 : index
      %swap3A_27 = arith.constant 0 : index
      %swap3A_28 = vector.load %arg4[%swap3A_26, %swap3A_27] : memref<8x128xf32, #tpu.memory_space<vmem>>, vector<8x128xf32>
      tpu.vector_store %arg4[%swap3A_26, %swap3A_27], %broadcast_in_dim3A_25 {strides = array<i32>} : memref<8x128xf32, #tpu.memory_space<vmem>>, vector<8x128xf32>,
    } else {
    }
    %get3A_10 = arith.constant 0 : index
    %get3A_11 = arith.constant 0 : index
    %get3A_12 = vector.load %arg4[%get3A_10, %get3A_11] : memref<8x128xf32, #tpu.memory_space<vmem>>, vector<8x128xf32>
    %reduce_sum3A = arith.constant dense<0.000000e+00> : vector<8xf32>
    %reduce_sum3A_13 = vector.multi_reduction <add>, %dot_general3A_5, %reduce_sum3A [1] : vector<8x2560xf32> to vector<8xf32>
    %broadcast_in_dim3A = vector.shape_cast %reduce_sum3A_13 : vector<8xf32> to vector<8x1xf32>
    %broadcast_in_dim3A_14 = vector.shape_cast %broadcast_in_dim3A : vector<8x1xf32> to vector<8x1xf32>
    %broadcast_in_dim3A_15 = vector.broadcast %broadcast_in_dim3A_14 : vector<8x1xf32> to vector<8x128xf32>
    %add3A = arith.addf %get3A_12, %broadcast_in_dim3A_15 : vector<8x128xf32>
    %swap3A_16 = arith.constant 0 : index
    %swap3A_17 = arith.constant 0 : index
    %swap3A_18 = vector.load %arg4[%swap3A_16, %swap3A_17] : memref<8x128xf32, #tpu.memory_space<vmem>>, vector<8x128xf32>
    tpu.vector_store %arg4[%swap3A_16, %swap3A_17], %add3A {strides = array<i32>} : memref<8x128xf32, #tpu.memory_space<vmem>>, vector<8x128xf32>,
    %eq3A_19 = arith.constant 124 : i32
    %eq3A_20 = arith.cmpi eq, %arg0, %eq3A_19 : i32
    %convert_element_type3A_21 = arith.extui %eq3A_20 : i1 to i32
    %cond3A_22 = arith.constant 0 : i32
    %cond3A_23 = arith.cmpi ne, %convert_element_type3A_21, %cond3A_22 : i32
    scf.if %cond3A_23 {
      %get3A_24 = arith.constant 0 : index
      %get3A_25 = arith.constant 0 : index
      %get3A_26 = vector.load %arg4[%get3A_24, %get3A_25] : memref<8x128xf32, #tpu.memory_space<vmem>>, vector<8x128xf32>
      %mul3A = arith.constant 3.125000e-06 : f32
      %mul3A_27 = vector.broadcast %mul3A : f32 to vector<8x128xf32>
      %mul3A_28 = arith.mulf %get3A_26, %mul3A_27 : vector<8x128xf32>
      %swap3A_29 = arith.constant 0 : index
      %swap3A_30 = arith.constant 0 : index
      %swap3A_31 = vector.load %arg4[%swap3A_29, %swap3A_30] : memref<8x128xf32, #tpu.memory_space<vmem>>, vector<8x128xf32>
      tpu.vector_store %arg4[%swap3A_29, %swap3A_30], %mul3A_28 {strides = array<i32>} : memref<8x128xf32, #tpu.memory_space<vmem>>, vector<8x128xf32>,
    } else {
    }
    return
  }
  func.func @transform_0(%arg0: i32) -> (i32, i32) {
    %c0_i32 = arith.constant 0 : i32
    %c0_i32_0 = arith.constant 0 : i32
    %c0_i32_1 = arith.constant 0 : i32
    return %c0_i32, %c0_i32_0 : i32, i32
  }
  func.func @transform_1(%arg0: i32) -> (i32, i32) {
    %c0_i32 = arith.constant 0 : i32
    %c0_i32_0 = arith.constant 0 : i32
    return %arg0, %c0_i32 : i32, i32
  }
  func.func @transform_2(%arg0: i32) -> (i32, i32) {
    %c0_i32 = arith.constant 0 : i32
    %c0_i32_0 = arith.constant 0 : i32
    return %c0_i32, %arg0 : i32, i32
  }
  func.func @transform_3(%arg0: i32) -> (i32, i32) {
    %c0_i32 = arith.constant 0 : i32
    %c0_i32_0 = arith.constant 0 : i32
    %c0_i32_1 = arith.constant 0 : i32
    return %c0_i32, %c0_i32_0 : i32, i32
  }
}

module attributes {stable_mosaic.version = 14 : i64} {
  func.func @_proj_kernel(%arg0: i32, %arg1: memref<128x72xf32, #tpu.memory_space<vmem>>, %arg2: memref<2048x128xf32, #tpu.memory_space<vmem>>, %arg3: memref<72x2048xf32, #tpu.memory_space<vmem>>) attributes {dimension_semantics = [#tpu.dimension_semantics<arbitrary>], iteration_bounds = array<i64: 5>, scalar_prefetch = 0 : i64, scratch_operands = 0 : i64, tpu.core_type = #tpu.core_type<tc>, window_params = [{pipeline_mode = #tpu.pipeline_mode<synchronous>, transform_indices = @transform_0, window_bounds = array<i64: 128, 72>}, {transform_indices = @transform_1, window_bounds = array<i64: 2048, 128>}, {transform_indices = @transform_2, window_bounds = array<i64: 72, 2048>}]} {
    %get3A = arith.constant 0 : index
    %get3A_0 = arith.constant 0 : index
    %get3A_1 = vector.load %arg1[%get3A, %get3A_0] : memref<128x72xf32, #tpu.memory_space<vmem>>, vector<128x72xf32>
    %get3A_2 = arith.constant 0 : index
    %get3A_3 = arith.constant 0 : index
    %get3A_4 = vector.load %arg2[%get3A_2, %get3A_3] : memref<2048x128xf32, #tpu.memory_space<vmem>>, vector<2048x128xf32>
    %dot_general3A = arith.constant dense<0.000000e+00> : vector<72x2048xf32>
    %dot_general3A_5 = tpu.matmul %get3A_1, %get3A_4, %dot_general3A {dimension_numbers = #tpu.dot_dimension_numbers<[0], [1], [1], [0], [0, 1, 1, 0], [], []>, transpose_lhs_hint = false} : vector<128x72xf32>, vector<2048x128xf32>, vector<72x2048xf32> -> vector<72x2048xf32>
    %swap3A = arith.constant 0 : index
    %swap3A_6 = arith.constant 0 : index
    %swap3A_7 = vector.load %arg3[%swap3A, %swap3A_6] : memref<72x2048xf32, #tpu.memory_space<vmem>>, vector<72x2048xf32>
    tpu.vector_store %arg3[%swap3A, %swap3A_6], %dot_general3A_5 {strides = array<i32>} : memref<72x2048xf32, #tpu.memory_space<vmem>>, vector<72x2048xf32>,
    return
  }
  func.func @transform_0(%arg0: i32) -> (i32, i32) {
    %c0_i32 = arith.constant 0 : i32
    %c0_i32_0 = arith.constant 0 : i32
    %c0_i32_1 = arith.constant 0 : i32
    return %c0_i32, %c0_i32_0 : i32, i32
  }
  func.func @transform_1(%arg0: i32) -> (i32, i32) {
    %c0_i32 = arith.constant 0 : i32
    %c0_i32_0 = arith.constant 0 : i32
    return %arg0, %c0_i32 : i32, i32
  }
  func.func @transform_2(%arg0: i32) -> (i32, i32) {
    %c0_i32 = arith.constant 0 : i32
    %c0_i32_0 = arith.constant 0 : i32
    return %c0_i32, %arg0 : i32, i32
  }
}

module attributes {stable_mosaic.version = 14 : i64} {
  func.func @_proj_relu_kernel(%arg0: i32, %arg1: memref<64x136xf32, #tpu.memory_space<vmem>>, %arg2: memref<64x2048xf32, #tpu.memory_space<vmem>>, %arg3: memref<136x2048xf32, #tpu.memory_space<vmem>>) attributes {dimension_semantics = [#tpu.dimension_semantics<arbitrary>], iteration_bounds = array<i64: 5>, scalar_prefetch = 0 : i64, scratch_operands = 0 : i64, tpu.core_type = #tpu.core_type<tc>, window_params = [{pipeline_mode = #tpu.pipeline_mode<synchronous>, transform_indices = @transform_0, window_bounds = array<i64: 64, 136>}, {transform_indices = @transform_1, window_bounds = array<i64: 64, 2048>}, {transform_indices = @transform_2, window_bounds = array<i64: 136, 2048>}]} {
    %get3A = arith.constant 0 : index
    %get3A_0 = arith.constant 0 : index
    %get3A_1 = vector.load %arg2[%get3A, %get3A_0] : memref<64x2048xf32, #tpu.memory_space<vmem>>, vector<64x2048xf32>
    %max3A = arith.constant 0.000000e+00 : f32
    %max3A_2 = vector.broadcast %max3A : f32 to vector<64x2048xf32>
    %max3A_3 = arith.maximumf %get3A_1, %max3A_2 : vector<64x2048xf32>
    %get3A_4 = arith.constant 0 : index
    %get3A_5 = arith.constant 0 : index
    %get3A_6 = vector.load %arg1[%get3A_4, %get3A_5] : memref<64x136xf32, #tpu.memory_space<vmem>>, vector<64x136xf32>
    %dot_general3A = arith.constant dense<0.000000e+00> : vector<136x2048xf32>
    %dot_general3A_7 = tpu.matmul %get3A_6, %max3A_3, %dot_general3A {dimension_numbers = #tpu.dot_dimension_numbers<[0], [0], [1], [1], [0, 1, 1, 1], [], []>, transpose_lhs_hint = false} : vector<64x136xf32>, vector<64x2048xf32>, vector<136x2048xf32> -> vector<136x2048xf32>
    %swap3A = arith.constant 0 : index
    %swap3A_8 = arith.constant 0 : index
    %swap3A_9 = vector.load %arg3[%swap3A, %swap3A_8] : memref<136x2048xf32, #tpu.memory_space<vmem>>, vector<136x2048xf32>
    tpu.vector_store %arg3[%swap3A, %swap3A_8], %dot_general3A_7 {strides = array<i32>} : memref<136x2048xf32, #tpu.memory_space<vmem>>, vector<136x2048xf32>,
    return
  }
  func.func @transform_0(%arg0: i32) -> (i32, i32) {
    %c0_i32 = arith.constant 0 : i32
    %c0_i32_0 = arith.constant 0 : i32
    %c0_i32_1 = arith.constant 0 : i32
    return %c0_i32, %c0_i32_0 : i32, i32
  }
  func.func @transform_1(%arg0: i32) -> (i32, i32) {
    %c0_i32 = arith.constant 0 : i32
    %c0_i32_0 = arith.constant 0 : i32
    return %c0_i32, %arg0 : i32, i32
  }
  func.func @transform_2(%arg0: i32) -> (i32, i32) {
    %c0_i32 = arith.constant 0 : i32
    %c0_i32_0 = arith.constant 0 : i32
    return %c0_i32, %arg0 : i32, i32
  }
}

</mosaic_0001>

<sc_bundles>
// kernel: kernel.10.cloned.1.call-start
scs
__scs_entry_jumppad:
0x0: {  	(pc) =	sbr.rel $0x88, $3  }
0x1: {  	(tag) =	ssettag $0x0;
	lr =	simm.s32 $0x1  }
0x2: {  	[smem:$0x3F92] =	sst lr;
	_ =	strace $0xD0000000  }
0x3: {  	_ = 	snop  }
0x4: {  	_ = 	snop  }
0x5: {  	_ = 	snop  }
0x6: {  	_ = 	snop  }
0x7: {  	_ = 	snop  }
__scs_overlays_trampoline_lowered:
0x8: {  	[smem:$0x3FA1] =	sst s0  }
0x9: {  	[smem:$0x3FA2] =	sst s1  }
0xa: {  	[smem:$0x3FA3] =	sst s2  }
0xb: {  	[smem:$0x3FA4] =	sst s3  }
0xc: {  	[smem:$0x3FA5] =	sst s4  }
0xd: {  	[smem:$0x3FA6] =	sst s5  }
0xe: {  	[smem:$0x3FA7] =	sst s6  }
0xf: {  	[smem:$0x3FA8] =	sst s7  }
0x10: {  	[smem:$0x3FA9] =	sst s8  }
0x11: {  	[smem:$0x3FAA] =	sst s9;
	s0 =	simm.s32 @!p0 $0x0  }
0x12: {  	s1 =	sld [smem:$0x3F90];
	s0 =	simm.s32 @p0 $0x1  }
0x13: {  	[smem:$0x3FAB] =	sst s0;
	s0 =	simm.s32 @!p1 $0x0  }
0x14: {  	s2 =	sld [smem:$0x3F8F];
	s0 =	simm.s32 @p1 $0x1  }
0x15: {  	[smem:$0x3FAC] =	sst s0;
	s0 =	simm.s32 @!p2 $0x0  }
0x16: {  	s3 =	sld [smem:$0x3FDB];
	s0 =	simm.s32 @p2 $0x1  }
0x17: {  	s4 =	simm.s32 $0x1BF5;
	[smem:$0x3FAE] =	sst s0  }
0x18: {  	s0 =	sld [smem:$0x3F91];
	_ =	swait.ge [sflag:s4], $0x0  }
0x19: {  	s7 =	sld [smem:$0x3F92]  }
0x1a: {  	s8 =	sadd.s32 $0xFFFFE003, lr  }
0x1b: {  	s9 =	sadd.s32 $0xFFFFFEF7, lr;
	s5 =	simm.s32 $0xFFFFFFFF;
	p2 =	slt.u32 s8, $0xFFFFF086  }
0x1c: {  	p1 =	slt.u32 s9, $0xF7A;
	s5 =	simm.s32 @!p2 $0x0  }
0x1d: {  	s5 =	simm.s32 @p1 $0x1;
	p0 =	seq.s32 s7, s2  }
0x1e: {  	s7 =	smul.u32 @!p0 $0xF7A, s2;
	p2 =	seq.s32 @!p0 s5, $0x0  }
0x1f: {  	s9 =	smul.u32 $0xF7A, s1;
	s8 =	simm.s32 @!p0 $0x1BF5;
	p2 =	por !p2, p0  }
0x20: {  	[sflag:s8] =	ssyncset.s32 @!p0 $0xFFFFF086;
	s6 =	sadd.s32 @!p0 s3, s7;
	s7 =	simm.s32 @!p0 $0x108  }
0x21: {  	s3 =	sadd.s32 s3, s9;
	s6 =	sadd.s32 @!p0 $0x88, s6;
	s7 =	simm.s32 @p2 $0x1082  }
0x22: {  	[simem:s7], [sflag:s8] =	dma.local @!p0 [hbm:s6], $0xF7A  }
0x23: {  	s9 =	sor.u32 $0xD0000000, s2;
	s6 =	simm.s32 $0x108;
	_ =	swait.ge @!p0 [sflag:s8], $0x0  }
0x24: {  	s3 =	sadd.s32 $0x88, s3;
	s6 =	simm.s32 @!p1 $0x1082;
	[sflag:s4] =	ssyncset.s32 $0xFFFFF086  }
0x25: {  	[simem:s6], [sflag:s4] =	dma.local [hbm:s3], $0xF7A  }
0x26: {  	[smem:$0x3F92] =	sst s1;
	(tag) =	ssettag s2;
	_ =	strace s9  }
0x27: {  	s1 =	sld [smem:$0x3FA2]  }
0x28: {  	s2 =	sld [smem:$0x3FA3]  }
0x29: {  	s4 =	sld [smem:$0x3FA5]  }
0x2a: {  	p0 =	seq.s32 s5, $0x0;
	s5 =	sld [smem:$0x3FA6]  }
0x2b: {  	s6 =	sld [smem:$0x3FA7]  }
0x2c: {  	s7 =	sld [smem:$0x3FA8]  }
0x2d: {  	s3 =	simm.s32 $0x108;
	s8 =	sld [smem:$0x3FA9]  }
0x2e: {  	s3 =	simm.s32 @!p0 $0x1082;
	s9 =	sld [smem:$0x3FAA]  }
0x2f: {  	lr =	sadd.s32 s0, s3;
	s0 =	sld [smem:$0x3FA1]  }
0x30: {  	s3 =	sld [smem:$0x3FA4]  }
0x31: {  	[smem:$0x3FAD] =	sst s10  }
0x32: {  	s10 =	sld [smem:$0x3FAB];
	_ =	sdelay $0x3  }
0x33: {  	p0 =	seq.s32 s10, $0x1;
	s10 =	sld [smem:$0x3FAD];
	_ =	sdelay $0x3  }
0x34: {  	[smem:$0x3FAD] =	sst s10  }
0x35: {  	s10 =	sld [smem:$0x3FAC];
	_ =	sdelay $0x3  }
0x36: {  	p1 =	seq.s32 s10, $0x1;
	s10 =	sld [smem:$0x3FAD];
	_ =	sdelay $0x3  }
0x37: {  	[smem:$0x3FAD] =	sst s10  }
0x38: {  	s10 =	sld [smem:$0x3FAE]  }
0x39: {  	_ = 	snop;
	(pc) =	sbr.ind lr, $3  }
0x3a: {  	_ = 	snop  }
0x3b: {  	_ = 	snop  }
0x3c: {  	p2 =	seq.s32 s10, $0x1;
	s10 =	sld [smem:$0x3FAD]  }
0x3d: {  	_ =	shalt  }
0x3e: {  	_ =	shalt  }
0x3f: {  	_ =	shalt  }
0x40: {  	_ =	shalt  }
0x41: {  	_ =	shalt  }
0x42: {  	_ =	shalt  }
0x43: {  	_ =	shalt  }
0x44: {  	_ =	shalt  }
0x45: {  	_ =	shalt  }
0x46: {  	_ =	shalt  }
0x47: {  	_ =	shalt  }
0x48: {  	_ =	shalt  }
0x49: {  	_ =	shalt  }
0x4a: {  	_ =	shalt  }
0x4b: {  	_ =	shalt  }
0x4c: {  	_ =	shalt  }
0x4d: {  	_ =	shalt  }
0x4e: {  	_ =	shalt  }
0x4f: {  	_ =	shalt  }
0x50: {  	_ =	shalt  }
0x51: {  	_ =	shalt  }
0x52: {  	_ =	shalt  }
0x53: {  	_ =	shalt  }
0x54: {  	_ =	shalt  }
0x55: {  	_ =	shalt  }
0x56: {  	_ =	shalt  }
0x57: {  	_ =	shalt  }
0x58: {  	_ =	shalt  }
0x59: {  	_ =	shalt  }
0x5a: {  	_ =	shalt  }
0x5b: {  	_ =	shalt  }
0x5c: {  	_ =	shalt  }
0x5d: {  	_ =	shalt  }
0x5e: {  	_ =	shalt  }
0x5f: {  	_ =	shalt  }
0x60: {  	_ =	shalt  }
0x61: {  	_ =	shalt  }
0x62: {  	_ =	shalt  }
0x63: {  	_ =	shalt  }
0x64: {  	_ =	shalt  }
0x65: {  	_ =	shalt  }
0x66: {  	_ =	shalt  }
0x67: {  	_ =	shalt  }
0x68: {  	_ =	shalt  }
0x69: {  	_ =	shalt  }
0x6a: {  	_ =	shalt  }
0x6b: {  	_ =	shalt  }
0x6c: {  	_ =	shalt  }
0x6d: {  	_ =	shalt  }
0x6e: {  	_ =	shalt  }
0x6f: {  	_ =	shalt  }
0x70: {  	_ =	shalt  }
0x71: {  	_ =	shalt  }
0x72: {  	_ =	shalt  }
0x73: {  	_ =	shalt  }
0x74: {  	_ =	shalt  }
0x75: {  	_ =	shalt  }
0x76: {  	_ =	shalt  }
0x77: {  	_ =	shalt  }
0x78: {  	_ =	shalt  }
0x79: {  	_ =	shalt  }
0x7a: {  	_ =	shalt  }
0x7b: {  	_ =	shalt  }
0x7c: {  	_ =	shalt  }
0x7d: {  	_ =	shalt  }
0x7e: {  	_ =	shalt  }
0x7f: {  	_ =	shalt  }
0x80: {  	_ =	shalt  }
0x81: {  	_ =	shalt  }
0x82: {  	_ =	shalt  }
0x83: {  	_ =	shalt  }
0x84: {  	_ =	shalt  }
0x85: {  	_ =	shalt  }
0x86: {  	_ =	shalt  }
0x87: {  	_ =	shalt  }
.Lfunc_end0:
.L_simem_size_0:
called_computation.1_lowered:
.L_overlay_start_0:
0x88: {  	s2 =	sld [smem:$0x3FD9]  }
0x89: {  	s3 =	sld [smem:$0x3FFE];
	_ =	sdelay $0x1  }
0x8a: {  	s1 =	srdreg.scid  }
0x8b: {  	s0 =	sand.u32 $0x1, s1  }
0x8c: {  	s16 =	sshll.u32 s0, $0xA;
	s2 =	sadd.s32 s3, s2  }
0x8d: {  	s2 =	sadd.s32 s2, s16  }
0x8e: {  	[smem:$0x3FB9] =	sst s2  }
0x8f: {  	_ = 	snop  }
0x90: {  	(tm) =	ssettm $0x1  }
0x91: {  	s17 =	sld [smem:$0x3FFB];
	_ =	sdelay $0x3  }
0x92: {  	_ =	strace s17  }
0x93: {  	s2 =	sld [smem:$0x3FFC];
	_ =	sdelay $0x3  }
0x94: {  	_ =	strace s2  }
0x95: {  	s2 =	sld [smem:$0x3FFD];
	_ =	sdelay $0x3  }
0x96: {  	_ =	strace s2  }
0x97: {  	_ =	strace $0x8FFFFFFF  }
0x98: {  	s18 =	sld [smem:$0x3FDB];
	_ =	sdelay $0x1  }
0x99: {  	s19 =	simm.s32 $_scs_section_size  }
0x9a: {  	s4 =	simm.s32 $_size__tile_overlayer_lowered;
	s5 =	simm.s32 $_tile_overlayer_lowered  }
0x9b: {  	s22 =	simm.s32 $0x1BFF;
	s21 =	sshll.u32 s5, $0x1;
	s2 =	sadd.s32 s19, s18  }
0x9c: {  	s6 =	simm.s32 $0x0;
	s20 =	sshll.u32 s4, $0x1;
	s4 =	sadd.s32 s21, s2  }
0x9d: {  	[timem:s6], [sflag:s22] =	dma.local [hbm:s4], s20  }
0x9e: {  	_ =	swait.ge [sflag:s22], s20  }
0x9f: {  	s3 =	ssub.s32 $0x0, s20;
	[sflag:s22] =	ssyncset.done $0x0  }
0xa0: {  	[sflag:s22] =	ssyncadd.s32 s3;
	_ =	sdelay $0x1  }
0xa1: {  	s23 =	simm.s32 $0x1B8B  }
0xa2: {  	_ =	swait.ge [sflag:s23], $0x1  }
0xa3: {  	[sflag:s23] =	ssyncset.done $0x0  }
0xa4: {  	s25 =	simm.s32 $0x1B8E;
	s24 =	sld [smem:$0x3FFE];
	[sflag:s23] =	ssyncadd.s32 $0xFFFFFFFF  }
0xa5: {  	s26 =	simm.s32 $execute0_lowered;
	[smem:$0x3FD2] =	sst s25  }
0xa6: {  	s4 =	sshll.u32 s26, $0x1;
	_ =	strace $0x80000049;
	[dreg:$0x1] =	wrdreg $0xFFFFFFFF  }
0xa7: {  	s28 =	simm.s32 $_size_execute0_lowered;
	s2 =	sadd.s32 s2, s4;
	[dreg:$0x0] =	wrdreg $0x0  }
0xa8: {  	s4 =	sshll.u32 s28, $0x1;
	[dreg:$0x2] =	wrdreg s2  }
0xa9: {  	[dreg:$0x3] =	wrdreg s4  }
0xaa: {  	[dreg:$0x4] =	wrdreg $0xC0  }
0xab: {  	_ =	task [dreg:s6], $0x5FFFF  }
0xac: {  	[dreg:$0x1] =	wrdreg $0xFFFFFFFF  }
0xad: {  	[dreg:$0x0] =	wrdreg $0x60  }
0xae: {  	[dreg:$0x2] =	wrdreg s24  }
0xaf: {  	[dreg:$0x3] =	wrdreg $0x9  }
0xb0: {  	_ =	task.clear_ibuf [dreg:s6], $0x4FFFF;
	_ =	strace $0x90000049  }
0xb1: {  	s29 =	simm.s32 $0x9;
	_ =	strace $0x8000004B  }
0xb2: {  	_ =	swait.ge [sflag:s29], $0x1  }
0xb3: {  	[sflag:s29] =	ssyncadd.s32 $0xFFFFFFFF  }
0xb4: {  	_ =	strace $0x9000004B  }
0xb5: {  	_ =	sfence  }
0xb6: {  	s30 =	sld [smem:$0x0];
	_ =	sdelay $0x2  }
0xb7: {  	s31 =	sshll.u32 s1, $0xD;
	s1 =	sshrl.u32 s1, $0x2  }
0xb8: {  	s3 =	sand.u32 $0x4000, s31;
	s1 =	sadd.s32 s1, s30  }
0xb9: {  	s0 =	sor.u32 s3, s0;
	s1 =	sshll.u32 s1, $0x11  }
0xba: {  	s0 =	sor.u32 s1, s0  }
0xbb: {  	s0 =	sadd.s32 $0x8F2B, s0  }
0xbc: {  	[sflag:s0] =	ssyncadd.remote.s32 $0x1  }
0xbd: {  	_ =	sfence.sel $0xFFFF  }
0xbe: {  	[dreg:$0x0] =	wrdreg $0xFFFFFFFF;
	(pc) =	sbr.abs _section_cstart, $3  }
0xbf: {  	[dreg:$0x1] =	wrdreg $0xFFFFFFFF  }
0xc0: {  	_ =	task.clear_ibuf [dreg:s6], $0x2FFFF;
	_ =	strace $0x9FFFFFFF  }
0xc1: {  	(tm) =	ssettm $0x7FFFFFFF  }
tec
execute0_lowered:
.L_overlay_start_1:
0x0: {  	(tag) =	ssettag $0x1  }
0x1: {  	s0 =	rddreg [dreg:$0x0];
	s2 =	simm.s32 $0x0;
	s3 =	srdreg.scid  }
0x2: {  	s1 =	stileid.u32;
	s13 =	simm.s32 $0x1D600;
	s14 =	simm.s32 $0x1D700  }
0x3: {  	s16 =	simm.s32 $0x1B800;
	s17 =	simm.s32 $0x1C200;
	s18 =	simm.s32 $0x1CC00  }
0x4: {  	s19 =	simm.s32 $0x2800;
	s20 =	simm.s32 $0x19000;
	s21 =	simm.s32 $0x5000  }
0x5: {  	s22 =	simm.s32 $0xF000;
	s23 =	simm.s32 $0x0;
	[smem:$0x7FF] =	sst s2  }
0x6: {  	s4 =	sand.u32 $0x1, s3;
	s30 =	sshll.u32 s1, $0x1;
	s3 =	sadd.s32 $0x51400, s0  }
0x7: {  	s5 =	sadd.s32 $0x79000, s0;
	s9 =	sadd.s32 $0x3020, s0;
	s10 =	sor.u32 s4, s30  }
0x8: {  	_ =	strace $0x8000004A;
	s7 =	ssub.s32 $0x2, s4;
	s6 =	smul.u32 $0x1400, s10  }
0x9: {  	s4 =	sadd.s32 $0x3200, s0;
	s8 =	sshrl.u32 s7, $0x1;
	s31 =	sshll.u32 s10, $0x4  }
0xa: {  	s12 =	ssub.s32 s7, s8;
	s7 =	sadd.s32 $0xA1700, s0;
	s11 =	sadd.s32 s6, s0  }
0xb: {  	s15 =	sshrl.u32 s31, $0x2;
	s6 =	sadd.s32 $0xA1200, s0;
	s8 =	sadd.s32 $0x79200, s11  }
0xc: {  	s10 =	sadd.s32 $0xA3A00, s11;
	s11 =	smax.u32 s12, $0x1;
	s12 =	simm.s32 $0x1  }
.LBB2_1:
0xd: {  	[tilespmem:s2], [sflag:$0x1] =	stream.linear.gather [hbm4b:s6+s2], $0x2800, $0x38;
	[tilespmem:$0x1D780] =	vst v63  }
0xe: {  	_ =	swait.ge [sflag:s12], $0x2800  }
0xf: {  	[sflag:s12] =	ssyncset.done $0x0  }
0x10: {  	[sflag:s12] =	ssyncadd.s32 $0xFFFFD800  }
0x11: {  	[tilespmem:s19], [sflag:$0x1] =	stream.linear.gather [hbm4b:s7+s2], $0x2800, $0x38;
	[tilespmem:$0x1D780] =	vst v63  }
0x12: {  	_ =	swait.ge [sflag:s12], $0x2800  }
0x13: {  	[sflag:s12] =	ssyncset.done $0x0  }
0x14: {  	[sflag:s12] =	ssyncadd.s32 $0xFFFFD800  }
0x15: {  	[tilespmem:s21], [sflag:$0x1] =	stream.linear.gather [hbm4b:s8+s2], $0xA000, $0x38;
	[tilespmem:$0x1D780] =	vst v63  }
0x16: {  	_ =	swait.ge [sflag:s12], $0xA000  }
0x17: {  	[sflag:s12] =	ssyncset.done $0x0  }
0x18: {  	[sflag:s12] =	ssyncadd.s32 $0xFFFF6000  }
0x19: {  	[tilespmem:s13], [sflag:$0x1] =	stream.linear.gather [hbm4b:s5+s2], $0x100, $0x38;
	[tilespmem:$0x1D780] =	vst v63  }
0x1a: {  	_ =	swait.ge [sflag:s12], $0x100  }
0x1b: {  	[sflag:s12] =	ssyncset.done $0x0  }
0x1c: {  	[sflag:s12] =	ssyncadd.s32 $0xFFFFFF00  }
0x1d: {  	[tilespmem:s14], [sflag:$0x1] =	stream.linear.gather [hbm4b:s9+s2], $0x10, $0x38;
	[tilespmem:$0x1D780] =	vst v63  }
0x1e: {  	_ =	swait.ge [sflag:s12], $0x10  }
0x1f: {  	[sflag:s12] =	ssyncset.done $0x0  }
0x20: {  	[sflag:s12] =	ssyncadd.s32 $0xFFFFFFF0  }
0x21: {  	v0 =	vld [tilespmem:s2+$0x0]  }
0x22: {  	v2 =	vld [tilespmem:s19+$0x0];
	_ =	sdelay $0x1  }
0x23: {  	v1 =	vld.msk [tilespmem:$0x1D700 ss:$0x0], $0xffff;
	_ =	sdelay $0x2  }
0x24: {  	v0 =	vadd.f32 v2, v0;
	_ =	sdelay $0x1  }
0x25: {  	v0 =	vadd.f32 v0, v1;
	_ =	sdelay $0x1  }
0x26: {  	v2 =	vmul.f32 $2.000000030e-01, v0  }
0x27: {  	vm0 =	vge.f32 v0, $0.0e+00  }
0x28: {  	v0 =	vsel vm0, v0, v2  }
0x29: {  	v0 =	vmul.f32 $1.442695020e+00, v0;
	_ =	sdelay $0x1  }
0x2a: {  	(erf) = vpow2.f32 v0;
	_ =	sdelay $0x8  }
0x2b: {  	v2 =	vpop (erf)  }
0x2c: {  	v0 =	vld [tilespmem:s15+$0x1D600];
	[tilespmem:s20+$0x0] =	vst v2  }
0x2d: {  	v3 =	vld [tilespmem:s21+$0x0];
	_ =	sdelay $0x4  }
0x2e: {  	v3 =	vmul.f32 v2, v3;
	_ =	sdelay $0x1  }
0x2f: {  	s0 =	sand.u32 $0x3FF0, s2;
	[tilespmem:s22+$0x0] =	vst v3  }
0x30: {  	v3 =	vld [tilespmem:s0+$0xC800]  }
0x31: {  	v6 =	vld [tilespmem:s0+$0x7800]  }
0x32: {  	v4 =	vld [tilespmem:s0+$0xA000];
	_ =	sdelay $0x2  }
0x33: {  	s25 =	simm.s32 $0x10;
	s26 =	simm.s32 $0x5010;
	s28 =	simm.s32 $0xF010;
	v5 =	vmul.f32 v3, v2  }
0x34: {  	s29 =	simm.s32 $0x0;
	s30 =	simm.s32 $0x2800;
	s31 =	simm.s32 $0x19000;
	v3 =	vmul.f32 v2, v6  }
.LBB2_2:
0x35: {  	v2 =	vmul.f32 v4, v2;
	[tilespmem:s0+$0x16800] =	vst v5;
	s29 =	sadd.s32 $0x10, s29;
	s30 =	sadd.s32 $0x10, s30;
	s31 =	sadd.s32 $0x10, s31  }
0x36: {  	p0 =	seq.s32 s25, $0x27F0;
	s24 =	smov.u32 s25;
	s25 =	sadd.s32 $0x10, s25;
	[tilespmem:s0+$0x11800] =	vst v3  }
0x37: {  	[tilespmem:s0+$0x14000] =	vst v2  }
0x38: {  	v2 =	vld [tilespmem:s29+$0x0]  }
0x39: {  	v3 =	vld [tilespmem:s30+$0x0];
	_ =	sdelay $0x4  }
0x3a: {  	v2 =	vadd.f32 v3, v2;
	_ =	sdelay $0x1  }
0x3b: {  	v2 =	vadd.f32 v2, v1;
	_ =	sdelay $0x1  }
0x3c: {  	v3 =	vmul.f32 $2.000000030e-01, v2  }
0x3d: {  	vm0 =	vge.f32 v2, $0.0e+00  }
0x3e: {  	v2 =	vsel vm0, v2, v3  }
0x3f: {  	v2 =	vmul.f32 $1.442695020e+00, v2;
	_ =	sdelay $0x1  }
0x40: {  	(erf) = vpow2.f32 v2;
	_ =	sdelay $0x8  }
0x41: {  	v2 =	vpop (erf)  }
0x42: {  	[tilespmem:s31+$0x0] =	vst v2  }
0x43: {  	v3 =	vld [tilespmem:s26+$0x0];
	_ =	sdelay $0x4  }
0x44: {  	v3 =	vmul.f32 v2, v3;
	_ =	sdelay $0x1  }
0x45: {  	s0 =	sand.u32 $0x3FF0, s24;
	[tilespmem:s28+$0x0] =	vst v3  }
0x46: {  	v3 =	vld [tilespmem:s0+$0xC800]  }
0x47: {  	v6 =	vld [tilespmem:s0+$0x7800]  }
.Ltmp0:
0x48: {  	v4 =	vld [tilespmem:s0+$0xA000];
	(pc) =	sbr.rel @!p0 .LBB2_2-.Ltmp0, $3  }
0x49: {  	_ =	sdelay $0x1  }
0x4a: {  	v5 =	vmul.f32 v3, v2  }
0x4b: {  	s24 =	simm.s32 $0x0;
	s26 =	sadd.s32 $0x10, s26;
	s28 =	sadd.s32 $0x10, s28;
	v3 =	vmul.f32 v2, v6  }
0x4c: {  	v1 =	vmul.f32 v4, v2;
	[tilespmem:s0+$0x16800] =	vst v5  }
0x4d: {  	[tilespmem:s0+$0x11800] =	vst v3  }
0x4e: {  	s25 =	simm.s32 $0x0;
	[tilespmem:s0+$0x14000] =	vst v1  }
.LBB2_4:
0x4f: {  	s0 =	smul.u32 $0xA00, s25;
	_ =	sdelay $0x1  }
0x50: {  	s0 =	sshrl.u32 s0, $0x3  }
0x51: {  	s26 =	sadd.s32 s3, s0  }
0x52: {  	[tilespmem:s16], [sflag:$0x1] =	stream.linear.gather [hbm4b:s26+s24], $0xA00, $0x38;
	[tilespmem:$0x1D780] =	vst v63  }
0x53: {  	_ =	swait.ge [sflag:s12], $0xA00  }
0x54: {  	[sflag:s12] =	ssyncset.done $0x0  }
0x55: {  	s26 =	sadd.s32 $0x9C40, s26;
	[sflag:s12] =	ssyncadd.s32 $0xFFFFF600  }
0x56: {  	[tilespmem:s17], [sflag:$0x1] =	stream.linear.gather [hbm4b:s26+s24], $0xA00, $0x38;
	[tilespmem:$0x1D780] =	vst v63  }
0x57: {  	_ =	swait.ge [sflag:s12], $0xA00  }
0x58: {  	s0 =	sadd.s32 s4, s0;
	[sflag:s12] =	ssyncset.done $0x0  }
0x59: {  	s0 =	sadd.s32 $0x13880, s0;
	[sflag:s12] =	ssyncadd.s32 $0xFFFFF600  }
0x5a: {  	[tilespmem:s18], [sflag:$0x1] =	stream.linear.gather [hbm4b:s0+s24], $0xA00, $0x38;
	[tilespmem:$0x1D780] =	vst v63  }
0x5b: {  	_ =	swait.ge [sflag:s12], $0xA00  }
0x5c: {  	[sflag:s12] =	ssyncset.done $0x0  }
0x5d: {  	s31 =	simm.s32 $0x0;
	[sflag:s12] =	ssyncadd.s32 $0xFFFFF600  }
0x5e: {  	v1 =	vld [tilespmem:s31+$0x1B800]  }
0x5f: {  	v2 =	vld [tilespmem:s31+$0x1C200];
	_ =	sdelay $0x6  }
0x60: {  	v3 =	vld.idx.msk [tilespmem:v1+s2+$0x0], $0xffff  }
0x61: {  	v4 =	vld.idx.msk [tilespmem:v2+s19+$0x0], $0xffff;
	_ =	sdelay $0x1  }
0x62: {  	v5 =	vld [tilespmem:s31+$0x1CC00];
	_ =	sdelay $0x2  }
0x63: {  	v3 =	vadd.f32 v4, v3;
	_ =	sdelay $0x1  }
0x64: {  	v3 =	vadd.f32 v5, v3;
	_ =	sdelay $0x1  }
0x65: {  	v59 =	vmul.f32 $2.000000030e-01, v3  }
0x66: {  	vm0 =	vge.f32 v3, $0.0e+00  }
0x67: {  	v3 =	vsel vm0, v3, v59  }
0x68: {  	v3 =	vmul.f32 $1.442695020e+00, v3;
	_ =	sdelay $0x1  }
0x69: {  	(erf) = vpow2.f32 v3;
	_ =	sdelay $0x8  }
0x6a: {  	v3 =	vpop (erf)  }
0x6b: {  	[tilespmem:v2+s20+$0x0] =	vst.idx.add.f32.msk $0xffff, v3  }
0x6c: {  	v60 =	vld.idx.msk [tilespmem:v1+s21+$0x0], $0xffff;
	_ =	sdelay $0x2  }
0x6d: {  	v61 =	vadd.s32 $0x2800, v1;
	_ =	sdelay $0x1  }
0x6e: {  	v4 =	vmul.f32 v3, v60;
	_ =	sdelay $0x1  }
0x6f: {  	[tilespmem:v2+s22+$0x0] =	vst.idx.add.f32.msk $0xffff, v4  }
0x70: {  	v4 =	vld.idx.msk [tilespmem:v61+s21+$0x0], $0xffff;
	_ =	sdelay $0x1  }
0x71: {  	v62 =	vadd.s32 $0x2800, v2  }
0x72: {  	v6 =	vadd.s32 $0x5000, v1;
	_ =	sdelay $0x1  }
0x73: {  	v4 =	vmul.f32 v3, v4;
	_ =	sdelay $0x1  }
0x74: {  	[tilespmem:v62+s22+$0x0] =	vst.idx.add.f32.msk $0xffff, v4  }
0x75: {  	v4 =	vld.idx.msk [tilespmem:v6+s21+$0x0], $0xffff;
	_ =	sdelay $0x1  }
0x76: {  	v63 =	vadd.s32 $0x5000, v2  }
0x77: {  	v1 =	vadd.s32 $0x7800, v1;
	_ =	sdelay $0x1  }
0x78: {  	v4 =	vmul.f32 v4, v3;
	_ =	sdelay $0x1  }
0x79: {  	[tilespmem:v63+s22+$0x0] =	vst.idx.add.f32.msk $0xffff, v4  }
0x7a: {  	v4 =	vld.idx.msk [tilespmem:v1+s21+$0x0], $0xffff;
	_ =	sdelay $0x1  }
0x7b: {  	v1 =	vadd.s32 $0x7800, v2;
	_ =	sdelay $0x2  }
0x7c: {  	s26 =	simm.s32 $0x40;
	v2 =	vmul.f32 v4, v3  }
.LBB2_5:
0x7d: {  	p0 =	sne.s32 s26, $0x27C0;
	s0 =	smov.u32 s26;
	s26 =	sadd.s32 $0x40, s26  }
0x7e: {  	s0 =	sshra.s32 s0, $0x2;
	[tilespmem:v1+s22+$0x0] =	vst.idx.add.f32.msk $0xffff, v2  }
0x7f: {  	v1 =	vld [tilespmem:s0+$0x1B800]  }
0x80: {  	v2 =	vld [tilespmem:s0+$0x1C200];
	_ =	sdelay $0x6  }
0x81: {  	v3 =	vld.idx.msk [tilespmem:v1+s2+$0x0], $0xffff  }
0x82: {  	v4 =	vld.idx.msk [tilespmem:v2+s19+$0x0], $0xffff;
	_ =	sdelay $0x1  }
0x83: {  	v5 =	vld [tilespmem:s0+$0x1CC00];
	_ =	sdelay $0x3  }
0x84: {  	v3 =	vadd.f32 v4, v3;
	_ =	sdelay $0x1  }
0x85: {  	v3 =	vadd.f32 v5, v3;
	_ =	sdelay $0x1  }
0x86: {  	vm0 =	vge.f32 v3, $0.0e+00;
	v4 =	vmul.f32 $2.000000030e-01, v3;
	_ =	sdelay $0x1  }
0x87: {  	v3 =	vsel vm0, v3, v4  }
0x88: {  	v3 =	vmul.f32 $1.442695020e+00, v3;
	_ =	sdelay $0x1  }
0x89: {  	(erf) = vpow2.f32 v3;
	_ =	sdelay $0x8  }
0x8a: {  	v3 =	vpop (erf)  }
0x8b: {  	[tilespmem:v2+s20+$0x0] =	vst.idx.add.f32.msk $0xffff, v3  }
0x8c: {  	v4 =	vld.idx.msk [tilespmem:v1+s21+$0x0], $0xffff;
	_ =	sdelay $0x2  }
0x8d: {  	v5 =	vadd.s32 $0x2800, v1;
	_ =	sdelay $0x2  }
0x8e: {  	v4 =	vmul.f32 v3, v4;
	_ =	sdelay $0x1  }
0x8f: {  	[tilespmem:v2+s22+$0x0] =	vst.idx.add.f32.msk $0xffff, v4  }
0x90: {  	v4 =	vld.idx.msk [tilespmem:v5+s21+$0x0], $0xffff;
	_ =	sdelay $0x1  }
0x91: {  	v5 =	vadd.s32 $0x2800, v2  }
0x92: {  	v6 =	vadd.s32 $0x5000, v1;
	_ =	sdelay $0x2  }
0x93: {  	v4 =	vmul.f32 v3, v4;
	_ =	sdelay $0x1  }
0x94: {  	[tilespmem:v5+s22+$0x0] =	vst.idx.add.f32.msk $0xffff, v4  }
0x95: {  	v4 =	vld.idx.msk [tilespmem:v6+s21+$0x0], $0xffff;
	_ =	sdelay $0x1  }
0x96: {  	v5 =	vadd.s32 $0x5000, v2  }
0x97: {  	v1 =	vadd.s32 $0x7800, v1;
	_ =	sdelay $0x2  }
0x98: {  	v4 =	vmul.f32 v4, v3;
	_ =	sdelay $0x1  }
0x99: {  	[tilespmem:v5+s22+$0x0] =	vst.idx.add.f32.msk $0xffff, v4  }
0x9a: {  	v4 =	vld.idx.msk [tilespmem:v1+s21+$0x0], $0xffff;
	_ =	sdelay $0x1  }
.Ltmp1:
0x9b: {  	v1 =	vadd.s32 $0x7800, v2;
	(pc) =	sbr.rel @p0 .LBB2_5-.Ltmp1, $2  }
0x9c: {  	_ =	sdelay $0x2  }
0x9d: {  	v2 =	vmul.f32 v4, v3  }
0x9e: {  	s25 =	sadd.s32 $0x1, s25  }
0x9f: {  	p0 =	seq.s32 s25, $0x7D  }
.Ltmp2:
0xa0: {  	_ = 	snop;
	(pc) =	sbr.rel @!p0 .LBB2_4-.Ltmp2, $2  }
0xa1: {  	_ =	sdelay $0x2  }
0xa2: {  	[tilespmem:v1+s22+$0x0] =	vst.idx.add.f32.msk $0xffff, v2  }
0xa3: {  	s24 =	simm.s32 $0x19000  }
0xa4: {  	v4 =	vld [tilespmem:s24+$0x0];
	_ =	sdelay $0x4  }
0xa5: {  	v4 =	vadd.f32 $1.000000020e-16, v4;
	_ =	sdelay $0x1  }
0xa6: {  	(erf) = vrcp.f32 v4;
	_ =	sdelay $0x3  }
0xa7: {  	s25 =	simm.s32 $0xF000  }
0xa8: {  	v4 =	vld [tilespmem:s25+$0x0];
	_ =	sdelay $0x3  }
0xa9: {  	v5 =	vpop (erf)  }
0xaa: {  	v1 =	vbroadcast v0, $0x0;
	v4 =	vmul.f32 v5, v4;
	_ =	sdelay $0x1  }
0xab: {  	v4 =	vadd.f32 v4, v1  }
0xac: {  	s0 =	simm.s32 $0x0  }
0xad: {  	s0 =	sand.u32 $0x3FF0, s0;
	[tilespmem:s25+$0x0] =	vst v4  }
0xae: {  	v4 =	vld [tilespmem:s0+$0x16800]  }
0xaf: {  	v6 =	vld [tilespmem:s0+$0x11800]  }
0xb0: {  	v7 =	vld [tilespmem:s0+$0x14000];
	_ =	sdelay $0x1  }
0xb1: {  	v3 =	vbroadcast v0, $0x1;
	v2 =	vbroadcast v0, $0x2  }
0xb2: {  	v0 =	vbroadcast v0, $0x3;
	v4 =	vmul.f32 v4, v5  }
0xb3: {  	v8 =	vmul.f32 v6, v5  }
0xb4: {  	v5 =	vmul.f32 v7, v5;
	v6 =	vadd.f32 v4, v0  }
0xb5: {  	s26 =	simm.s32 $0x10;
	v4 =	vadd.f32 v8, v3  }
.LBB2_8:
0xb6: {  	p0 =	sne.s32 s26, $0x27F0;
	v5 =	vadd.f32 v5, v2;
	[tilespmem:s0+$0x16800] =	vst v6;
	s24 =	sadd.s32 $0x10, s24;
	s25 =	sadd.s32 $0x10, s25  }
0xb7: {  	s28 =	smov.u32 s26;
	s26 =	sadd.s32 $0x10, s26;
	[tilespmem:s0+$0x11800] =	vst v4  }
0xb8: {  	[tilespmem:s0+$0x14000] =	vst v5  }
0xb9: {  	v4 =	vld [tilespmem:s24+$0x0];
	_ =	sdelay $0x4  }
0xba: {  	v4 =	vadd.f32 $1.000000020e-16, v4;
	_ =	sdelay $0x1  }
0xbb: {  	(erf) = vrcp.f32 v4;
	_ =	sdelay $0x4  }
0xbc: {  	v4 =	vld [tilespmem:s25+$0x0];
	_ =	sdelay $0x3  }
0xbd: {  	v5 =	vpop (erf)  }
0xbe: {  	v4 =	vmul.f32 v5, v4;
	_ =	sdelay $0x1  }
0xbf: {  	v4 =	vadd.f32 v4, v1;
	_ =	sdelay $0x1  }
0xc0: {  	s0 =	sand.u32 $0x3FF0, s28;
	[tilespmem:s25+$0x0] =	vst v4  }
0xc1: {  	v4 =	vld [tilespmem:s0+$0x16800]  }
0xc2: {  	v6 =	vld [tilespmem:s0+$0x11800]  }
0xc3: {  	v7 =	vld [tilespmem:s0+$0x14000];
	_ =	sdelay $0x1  }
.Ltmp3:
0xc4: {  	(pc) =	sbr.rel @p0 .LBB2_8-.Ltmp3, $4  }
0xc5: {  	v4 =	vmul.f32 v4, v5  }
0xc6: {  	v8 =	vmul.f32 v6, v5  }
0xc7: {  	v5 =	vmul.f32 v7, v5;
	v6 =	vadd.f32 v4, v0  }
0xc8: {  	v4 =	vadd.f32 v8, v3  }
0xc9: {  	v0 =	vadd.f32 v5, v2;
	[tilespmem:s0+$0x16800] =	vst v6;
	s23 =	sadd.s32 $0x1, s23  }
0xca: {  	[tilespmem:s0+$0x11800] =	vst v4;
	p0 =	sne.s32 s23, s11  }
.Ltmp4:
0xcb: {  	[tilespmem:s0+$0x14000] =	vst v0;
	(pc) =	sbr.rel @p0 .LBB2_1-.Ltmp4, $4  }
0xcc: {  	[hbm4b:s10+s2] =	stream.linear.scatter [tilespmem:s22], [sflag:$0x1], $0xA000, $0x38;
	[tilespmem:$0x1D780] =	vst v63  }
0xcd: {  	_ =	swait.ge [sflag:s12], $0xA000  }
0xce: {  	[sflag:s12] =	ssyncset.done $0x0  }
0xcf: {  	[sflag:s12] =	ssyncadd.s32 $0xFFFF6000  }
0xd0: {  	_ =	sfence.sel $0x180000  }
0xd1: {  	[bflag:$0x0] =	sbarrier.arrive $0xFFFF  }
0xd2: {  	_ =	strace $0x9000004A  }
0xd3: {  	[bflag:$0x2] =	sbarrier.arrive $0xFFFF  }
0xd4: {  	p0 =	sne.s32 s1, $0x0;
	s0 =	rddreg [dreg:$0x1]  }
0xd5: {  	s0 =	sadd.s32 @!p0 $0x100000, s0  }
0xd6: {  	[sflag:s0] =	ssyncadd.tile.s32 @!p0 $0x1;
	_ =	shalt  }
.Lfunc_end2:
_tile_overlayer_lowered:
.L_overlay_start_2:
0xd7: {  	(tag) =	ssettag $0x2  }
0xd8: {  	s0 =	rddreg [dreg:$0x0];
	s2 =	stileid.u32  }
0xd9: {  	s1 =	rddreg [dreg:$0x1];
	p0 =	sne.s32 s2, $0x0  }
0xda: {  	s3 =	rddreg [dreg:$0x2];
	[bflag:$0x3] =	sbarrier.arrive $0xFFFF;
	s2 =	simm.s32 @!p0 $0x1C01  }
0xdb: {  	[timem:s3], [sflag:s2] =	dma.local @!p0 [hbm:s0], s1  }
0xdc: {  	s0 =	simm.s32 @!p0 $0x1  }
0xdd: {  	_ =	swait.ge @!p0 [sflag:s0], s1  }
0xde: {  	s1 =	ssub.s32 @!p0 $0x0, s1;
	[sflag:s0] =	ssyncset.done @!p0 $0x0  }
0xdf: {  	[sflag:s0] =	ssyncadd.s32 @!p0 s1  }
0xe0: {  	[bflag:$0x3] =	sbarrier.arrive $0xFFFF  }
0xe1: {  	_ =	shalt  }

// kernel: kernel.7.cloned.1.call-start
scs
__scs_entry_jumppad:
0x0: {  	(pc) =	sbr.rel $0x88, $3  }
0x1: {  	(tag) =	ssettag $0x0;
	lr =	simm.s32 $0x1  }
0x2: {  	[smem:$0x3F92] =	sst lr;
	_ =	strace $0xD0000000  }
0x3: {  	_ = 	snop  }
0x4: {  	_ = 	snop  }
0x5: {  	_ = 	snop  }
0x6: {  	_ = 	snop  }
0x7: {  	_ = 	snop  }
__scs_overlays_trampoline_lowered:
0x8: {  	[smem:$0x3FA1] =	sst s0  }
0x9: {  	[smem:$0x3FA2] =	sst s1  }
0xa: {  	[smem:$0x3FA3] =	sst s2  }
0xb: {  	[smem:$0x3FA4] =	sst s3  }
0xc: {  	[smem:$0x3FA5] =	sst s4  }
0xd: {  	[smem:$0x3FA6] =	sst s5  }
0xe: {  	[smem:$0x3FA7] =	sst s6  }
0xf: {  	[smem:$0x3FA8] =	sst s7  }
0x10: {  	[smem:$0x3FA9] =	sst s8  }
0x11: {  	[smem:$0x3FAA] =	sst s9;
	s0 =	simm.s32 @!p0 $0x0  }
0x12: {  	s1 =	sld [smem:$0x3F90];
	s0 =	simm.s32 @p0 $0x1  }
0x13: {  	[smem:$0x3FAB] =	sst s0;
	s0 =	simm.s32 @!p1 $0x0  }
0x14: {  	s2 =	sld [smem:$0x3F8F];
	s0 =	simm.s32 @p1 $0x1  }
0x15: {  	[smem:$0x3FAC] =	sst s0;
	s0 =	simm.s32 @!p2 $0x0  }
0x16: {  	s3 =	sld [smem:$0x3FDB];
	s0 =	simm.s32 @p2 $0x1  }
0x17: {  	s4 =	simm.s32 $0x1BF5;
	[smem:$0x3FAE] =	sst s0  }
0x18: {  	s0 =	sld [smem:$0x3F91];
	_ =	swait.ge [sflag:s4], $0x0  }
0x19: {  	s7 =	sld [smem:$0x3F92]  }
0x1a: {  	s8 =	sadd.s32 $0xFFFFE003, lr  }
0x1b: {  	s9 =	sadd.s32 $0xFFFFFEF7, lr;
	s5 =	simm.s32 $0xFFFFFFFF;
	p2 =	slt.u32 s8, $0xFFFFF086  }
0x1c: {  	p1 =	slt.u32 s9, $0xF7A;
	s5 =	simm.s32 @!p2 $0x0  }
0x1d: {  	s5 =	simm.s32 @p1 $0x1;
	p0 =	seq.s32 s7, s2  }
0x1e: {  	s7 =	smul.u32 @!p0 $0xF7A, s2;
	p2 =	seq.s32 @!p0 s5, $0x0  }
0x1f: {  	s9 =	smul.u32 $0xF7A, s1;
	s8 =	simm.s32 @!p0 $0x1BF5;
	p2 =	por !p2, p0  }
0x20: {  	[sflag:s8] =	ssyncset.s32 @!p0 $0xFFFFF086;
	s6 =	sadd.s32 @!p0 s3, s7;
	s7 =	simm.s32 @!p0 $0x108  }
0x21: {  	s3 =	sadd.s32 s3, s9;
	s6 =	sadd.s32 @!p0 $0x88, s6;
	s7 =	simm.s32 @p2 $0x1082  }
0x22: {  	[simem:s7], [sflag:s8] =	dma.local @!p0 [hbm:s6], $0xF7A  }
0x23: {  	s9 =	sor.u32 $0xD0000000, s2;
	s6 =	simm.s32 $0x108;
	_ =	swait.ge @!p0 [sflag:s8], $0x0  }
0x24: {  	s3 =	sadd.s32 $0x88, s3;
	s6 =	simm.s32 @!p1 $0x1082;
	[sflag:s4] =	ssyncset.s32 $0xFFFFF086  }
0x25: {  	[simem:s6], [sflag:s4] =	dma.local [hbm:s3], $0xF7A  }
0x26: {  	[smem:$0x3F92] =	sst s1;
	(tag) =	ssettag s2;
	_ =	strace s9  }
0x27: {  	s1 =	sld [smem:$0x3FA2]  }
0x28: {  	s2 =	sld [smem:$0x3FA3]  }
0x29: {  	s4 =	sld [smem:$0x3FA5]  }
0x2a: {  	p0 =	seq.s32 s5, $0x0;
	s5 =	sld [smem:$0x3FA6]  }
0x2b: {  	s6 =	sld [smem:$0x3FA7]  }
0x2c: {  	s7 =	sld [smem:$0x3FA8]  }
0x2d: {  	s3 =	simm.s32 $0x108;
	s8 =	sld [smem:$0x3FA9]  }
0x2e: {  	s3 =	simm.s32 @!p0 $0x1082;
	s9 =	sld [smem:$0x3FAA]  }
0x2f: {  	lr =	sadd.s32 s0, s3;
	s0 =	sld [smem:$0x3FA1]  }
0x30: {  	s3 =	sld [smem:$0x3FA4]  }
0x31: {  	[smem:$0x3FAD] =	sst s10  }
0x32: {  	s10 =	sld [smem:$0x3FAB];
	_ =	sdelay $0x3  }
0x33: {  	p0 =	seq.s32 s10, $0x1;
	s10 =	sld [smem:$0x3FAD];
	_ =	sdelay $0x3  }
0x34: {  	[smem:$0x3FAD] =	sst s10  }
0x35: {  	s10 =	sld [smem:$0x3FAC];
	_ =	sdelay $0x3  }
0x36: {  	p1 =	seq.s32 s10, $0x1;
	s10 =	sld [smem:$0x3FAD];
	_ =	sdelay $0x3  }
0x37: {  	[smem:$0x3FAD] =	sst s10  }
0x38: {  	s10 =	sld [smem:$0x3FAE]  }
0x39: {  	_ = 	snop;
	(pc) =	sbr.ind lr, $3  }
0x3a: {  	_ = 	snop  }
0x3b: {  	_ = 	snop  }
0x3c: {  	p2 =	seq.s32 s10, $0x1;
	s10 =	sld [smem:$0x3FAD]  }
0x3d: {  	_ =	shalt  }
0x3e: {  	_ =	shalt  }
0x3f: {  	_ =	shalt  }
0x40: {  	_ =	shalt  }
0x41: {  	_ =	shalt  }
0x42: {  	_ =	shalt  }
0x43: {  	_ =	shalt  }
0x44: {  	_ =	shalt  }
0x45: {  	_ =	shalt  }
0x46: {  	_ =	shalt  }
0x47: {  	_ =	shalt  }
0x48: {  	_ =	shalt  }
0x49: {  	_ =	shalt  }
0x4a: {  	_ =	shalt  }
0x4b: {  	_ =	shalt  }
0x4c: {  	_ =	shalt  }
0x4d: {  	_ =	shalt  }
0x4e: {  	_ =	shalt  }
0x4f: {  	_ =	shalt  }
0x50: {  	_ =	shalt  }
0x51: {  	_ =	shalt  }
0x52: {  	_ =	shalt  }
0x53: {  	_ =	shalt  }
0x54: {  	_ =	shalt  }
0x55: {  	_ =	shalt  }
0x56: {  	_ =	shalt  }
0x57: {  	_ =	shalt  }
0x58: {  	_ =	shalt  }
0x59: {  	_ =	shalt  }
0x5a: {  	_ =	shalt  }
0x5b: {  	_ =	shalt  }
0x5c: {  	_ =	shalt  }
0x5d: {  	_ =	shalt  }
0x5e: {  	_ =	shalt  }
0x5f: {  	_ =	shalt  }
0x60: {  	_ =	shalt  }
0x61: {  	_ =	shalt  }
0x62: {  	_ =	shalt  }
0x63: {  	_ =	shalt  }
0x64: {  	_ =	shalt  }
0x65: {  	_ =	shalt  }
0x66: {  	_ =	shalt  }
0x67: {  	_ =	shalt  }
0x68: {  	_ =	shalt  }
0x69: {  	_ =	shalt  }
0x6a: {  	_ =	shalt  }
0x6b: {  	_ =	shalt  }
0x6c: {  	_ =	shalt  }
0x6d: {  	_ =	shalt  }
0x6e: {  	_ =	shalt  }
0x6f: {  	_ =	shalt  }
0x70: {  	_ =	shalt  }
0x71: {  	_ =	shalt  }
0x72: {  	_ =	shalt  }
0x73: {  	_ =	shalt  }
0x74: {  	_ =	shalt  }
0x75: {  	_ =	shalt  }
0x76: {  	_ =	shalt  }
0x77: {  	_ =	shalt  }
0x78: {  	_ =	shalt  }
0x79: {  	_ =	shalt  }
0x7a: {  	_ =	shalt  }
0x7b: {  	_ =	shalt  }
0x7c: {  	_ =	shalt  }
0x7d: {  	_ =	shalt  }
0x7e: {  	_ =	shalt  }
0x7f: {  	_ =	shalt  }
0x80: {  	_ =	shalt  }
0x81: {  	_ =	shalt  }
0x82: {  	_ =	shalt  }
0x83: {  	_ =	shalt  }
0x84: {  	_ =	shalt  }
0x85: {  	_ =	shalt  }
0x86: {  	_ =	shalt  }
0x87: {  	_ =	shalt  }
.Lfunc_end0:
.L_simem_size_0:
called_computation_lowered:
.L_overlay_start_0:
0x88: {  	s2 =	sld [smem:$0x3FD9]  }
0x89: {  	s3 =	sld [smem:$0x3FFE];
	_ =	sdelay $0x1  }
0x8a: {  	s1 =	srdreg.scid  }
0x8b: {  	s0 =	sand.u32 $0x1, s1  }
0x8c: {  	s17 =	sshll.u32 s0, $0xA;
	s2 =	sadd.s32 s3, s2  }
0x8d: {  	s2 =	sadd.s32 s2, s17  }
0x8e: {  	[smem:$0x3FB9] =	sst s2  }
0x8f: {  	_ = 	snop  }
0x90: {  	s2 =	sld [smem:$0x3FD0];
	(tm) =	ssettm $0x1  }
0x91: {  	s18 =	sld [smem:$0x3FFB];
	_ =	sdelay $0x3  }
0x92: {  	_ =	strace s18  }
0x93: {  	s3 =	sld [smem:$0x3FFC];
	_ =	sdelay $0x3  }
0x94: {  	_ =	strace s3  }
0x95: {  	s3 =	sld [smem:$0x3FFD];
	_ =	sdelay $0x3  }
0x96: {  	_ =	strace s3  }
0x97: {  	_ =	strace $0x8FFFFFFF  }
0x98: {  	s19 =	sld [smem:$0x3FDB];
	_ =	sdelay $0x1  }
0x99: {  	s4 =	simm.s32 $_scs_section_size  }
0x9a: {  	s5 =	simm.s32 $_size__tile_overlayer_lowered;
	s6 =	simm.s32 $_tile_overlayer_lowered  }
0x9b: {  	s22 =	simm.s32 $0x1BFF;
	s21 =	sshll.u32 s6, $0x1;
	s3 =	sadd.s32 s4, s19  }
0x9c: {  	s7 =	simm.s32 $0x0;
	s20 =	sshll.u32 s5, $0x1;
	s5 =	sadd.s32 s21, s3  }
0x9d: {  	[timem:s7], [sflag:s22] =	dma.local [hbm:s5], s20  }
0x9e: {  	_ =	swait.ge [sflag:s22], s20  }
0x9f: {  	s4 =	ssub.s32 $0x0, s20;
	[sflag:s22] =	ssyncset.done $0x0  }
0xa0: {  	[sflag:s22] =	ssyncadd.s32 s4;
	_ =	sdelay $0x1  }
0xa1: {  	s23 =	simm.s32 $0x1B8B  }
0xa2: {  	_ =	swait.ge [sflag:s23], $0x1  }
0xa3: {  	[sflag:s23] =	ssyncset.done $0x0  }
0xa4: {  	s25 =	simm.s32 $0x1B8E;
	s24 =	sld [smem:$0x3FFE];
	[sflag:s23] =	ssyncadd.s32 $0xFFFFFFFF  }
0xa5: {  	s26 =	simm.s32 $execute0_lowered;
	[smem:$0x3FD2] =	sst s25  }
0xa6: {  	s5 =	sshll.u32 s26, $0x1;
	_ =	strace $0x80000046;
	[dreg:$0x1] =	wrdreg $0xFFFFFFFF  }
0xa7: {  	s28 =	simm.s32 $_size_execute0_lowered;
	s3 =	sadd.s32 s3, s5;
	[dreg:$0x0] =	wrdreg $0x0  }
0xa8: {  	s5 =	sshll.u32 s28, $0x1;
	[dreg:$0x2] =	wrdreg s3  }
0xa9: {  	[dreg:$0x3] =	wrdreg s5  }
0xaa: {  	[dreg:$0x4] =	wrdreg $0xC0  }
0xab: {  	_ =	task [dreg:s7], $0x5FFFF  }
0xac: {  	[dreg:$0x1] =	wrdreg $0xFFFFFFFF  }
0xad: {  	[dreg:$0x0] =	wrdreg $0x60  }
0xae: {  	[dreg:$0x2] =	wrdreg s24  }
0xaf: {  	[dreg:$0x3] =	wrdreg s2  }
0xb0: {  	[dreg:$0x4] =	wrdreg $0x9  }
0xb1: {  	_ =	task.clear_ibuf [dreg:s7], $0x5FFFF;
	_ =	strace $0x90000046  }
0xb2: {  	s29 =	simm.s32 $0x9;
	_ =	strace $0x80000048  }
0xb3: {  	_ =	swait.ge [sflag:s29], $0x1  }
0xb4: {  	[sflag:s29] =	ssyncadd.s32 $0xFFFFFFFF  }
0xb5: {  	_ =	strace $0x90000048  }
0xb6: {  	_ =	sfence  }
0xb7: {  	s30 =	sld [smem:$0x0];
	_ =	sdelay $0x2  }
0xb8: {  	s31 =	sshll.u32 s1, $0xD;
	s1 =	sshrl.u32 s1, $0x2  }
0xb9: {  	s3 =	sand.u32 $0x4000, s31;
	s1 =	sadd.s32 s1, s30  }
0xba: {  	s0 =	sor.u32 s3, s0;
	s1 =	sshll.u32 s1, $0x11  }
0xbb: {  	s0 =	sor.u32 s1, s0  }
0xbc: {  	s0 =	sadd.s32 $0x8F2B, s0  }
0xbd: {  	[sflag:s0] =	ssyncadd.remote.s32 $0x1  }
0xbe: {  	_ =	sfence.sel $0xFFFF  }
0xbf: {  	[dreg:$0x0] =	wrdreg $0xFFFFFFFF;
	(pc) =	sbr.abs _section_cstart, $3  }
0xc0: {  	[dreg:$0x1] =	wrdreg $0xFFFFFFFF  }
0xc1: {  	_ =	task.clear_ibuf [dreg:s7], $0x2FFFF;
	_ =	strace $0x9FFFFFFF  }
0xc2: {  	(tm) =	ssettm $0x7FFFFFFF  }
0xc3: {  	_ =	shalt  }
tec
execute0_lowered:
.L_overlay_start_1:
0x0: {  	(tag) =	ssettag $0x1  }
0x1: {  	s0 =	rddreg [dreg:$0x0]  }
0x2: {  	s1 =	rddreg [dreg:$0x1]  }
0x3: {  	s2 =	simm.s32 $0x0;
	s7 =	stileid.u32;
	s4 =	srdreg.scid  }
0x4: {  	s14 =	simm.s32 $0x13600;
	s15 =	simm.s32 $0x13680;
	s17 =	simm.s32 $0x11800  }
0x5: {  	s18 =	simm.s32 $0x12200;
	s19 =	simm.s32 $0x12C00;
	s20 =	simm.s32 $0x2800  }
0x6: {  	s21 =	simm.s32 $0xF000;
	s22 =	simm.s32 $0x5000;
	s23 =	simm.s32 $0xA000  }
0x7: {  	s24 =	simm.s32 $0x0;
	[smem:$0x7FF] =	sst s2;
	s3 =	sadd.s32 $0x51400, s0  }
0x8: {  	s5 =	sshll.u32 s7, $0x1;
	s6 =	sand.u32 $0x1, s4;
	s10 =	sshrl.u32 s7, $0x3  }
0x9: {  	s4 =	sadd.s32 $0x3200, s0;
	_ =	strace $0x80000047;
	s28 =	sand.u32 $0x10, s5  }
0xa: {  	s11 =	sor.u32 s6, s5;
	s8 =	smul.u32 $0x2800, s10;
	s5 =	sadd.s32 $0x64E00, s0  }
0xb: {  	s6 =	ssub.s32 $0x2, s6;
	s10 =	smul.u32 $0x4E200, s10;
	s9 =	sadd.s32 s28, s0  }
0xc: {  	s12 =	smul.u32 $0xA00, s11;
	s30 =	sshrl.u32 s6, $0x1;
	s31 =	sshll.u32 s11, $0x3  }
0xd: {  	s29 =	sshrl.u32 s8, $0x3;
	s13 =	ssub.s32 s6, s30;
	s9 =	sadd.s32 $0x3000, s9  }
0xe: {  	s16 =	sshrl.u32 s31, $0x2;
	s0 =	sadd.s32 s12, s0;
	s7 =	sadd.s32 s1, s29  }
0xf: {  	s8 =	sadd.s32 s1, s12;
	s12 =	smax.u32 s13, $0x1;
	s13 =	simm.s32 $0x1  }
0x10: {  	s6 =	sadd.s32 $0x14000, s7;
	s7 =	sadd.s32 $0x14A00, s7;
	s11 =	sadd.s32 $0x65000, s0  }
.LBB2_1:
0x11: {  	[tilespmem:s2], [sflag:$0x1] =	stream.linear.gather [hbm4b:s6+s2], $0x2800, $0x38;
	[tilespmem:$0x13700] =	vst v63  }
0x12: {  	_ =	swait.ge [sflag:s13], $0x2800  }
0x13: {  	[sflag:s13] =	ssyncset.done $0x0  }
0x14: {  	[sflag:s13] =	ssyncadd.s32 $0xFFFFD800  }
0x15: {  	[tilespmem:s20], [sflag:$0x1] =	stream.linear.gather [hbm4b:s7+s2], $0x2800, $0x38;
	[tilespmem:$0x13700] =	vst v63  }
0x16: {  	_ =	swait.ge [sflag:s13], $0x2800  }
0x17: {  	[sflag:s13] =	ssyncset.done $0x0  }
0x18: {  	[sflag:s13] =	ssyncadd.s32 $0xFFFFD800  }
0x19: {  	[tilespmem:s22], [sflag:$0x1] =	stream.linear.gather [hbm4b:s8+s2], $0x5000, $0x38;
	[tilespmem:$0x13700] =	vst v63  }
0x1a: {  	_ =	swait.ge [sflag:s13], $0x5000  }
0x1b: {  	[sflag:s13] =	ssyncset.done $0x0  }
0x1c: {  	[sflag:s13] =	ssyncadd.s32 $0xFFFFB000  }
0x1d: {  	[tilespmem:s14], [sflag:$0x1] =	stream.linear.gather [hbm4b:s5+s2], $0x80, $0x38;
	[tilespmem:$0x13700] =	vst v63  }
0x1e: {  	_ =	swait.ge [sflag:s13], $0x80  }
0x1f: {  	[sflag:s13] =	ssyncset.done $0x0  }
0x20: {  	[sflag:s13] =	ssyncadd.s32 $0xFFFFFF80  }
0x21: {  	[tilespmem:s15], [sflag:$0x1] =	stream.linear.gather [hbm4b:s9+s2], $0x10, $0x38;
	[tilespmem:$0x13700] =	vst v63  }
0x22: {  	_ =	swait.ge [sflag:s13], $0x10  }
0x23: {  	[sflag:s13] =	ssyncset.done $0x0  }
0x24: {  	[sflag:s13] =	ssyncadd.s32 $0xFFFFFFF0  }
0x25: {  	v0 =	vld [tilespmem:s2+$0x0]  }
0x26: {  	v2 =	vld [tilespmem:s20+$0x0];
	_ =	sdelay $0x1  }
0x27: {  	v1 =	vld.msk [tilespmem:$0x13680 ss:$0x0], $0xffff;
	_ =	sdelay $0x2  }
0x28: {  	v0 =	vadd.f32 v2, v0;
	_ =	sdelay $0x1  }
0x29: {  	v0 =	vadd.f32 v0, v1;
	_ =	sdelay $0x1  }
0x2a: {  	v2 =	vmul.f32 $2.000000030e-01, v0  }
0x2b: {  	vm0 =	vge.f32 v0, $0.0e+00  }
0x2c: {  	v0 =	vsel vm0, v0, v2  }
0x2d: {  	v0 =	vmul.f32 $1.442695020e+00, v0;
	_ =	sdelay $0x1  }
0x2e: {  	(erf) = vpow2.f32 v0;
	_ =	sdelay $0x8  }
0x2f: {  	v2 =	vpop (erf)  }
0x30: {  	v0 =	vld [tilespmem:s16+$0x13600];
	[tilespmem:s21+$0x0] =	vst v2  }
0x31: {  	v3 =	vld [tilespmem:s22+$0x0];
	_ =	sdelay $0x4  }
0x32: {  	v3 =	vmul.f32 v2, v3;
	_ =	sdelay $0x1  }
0x33: {  	s1 =	sand.u32 $0x3FF0, s2;
	[tilespmem:s23+$0x0] =	vst v3  }
0x34: {  	v3 =	vld [tilespmem:s1+$0x7800];
	_ =	sdelay $0x4  }
0x35: {  	s26 =	simm.s32 $0x10;
	s28 =	simm.s32 $0x5010;
	s29 =	simm.s32 $0xA010;
	v2 =	vmul.f32 v2, v3  }
0x36: {  	s30 =	simm.s32 $0x0;
	s31 =	simm.s32 $0x2800;
	s0 =	simm.s32 $0xF000  }
.LBB2_2:
0x37: {  	[tilespmem:s1+$0xC800] =	vst v2;
	s30 =	sadd.s32 $0x10, s30;
	s31 =	sadd.s32 $0x10, s31;
	s0 =	sadd.s32 $0x10, s0  }
0x38: {  	p0 =	seq.s32 s26, $0x27F0;
	s1 =	smov.u32 s26;
	s26 =	sadd.s32 $0x10, s26;
	v2 =	vld [tilespmem:s30+$0x0]  }
0x39: {  	v3 =	vld [tilespmem:s31+$0x0];
	_ =	sdelay $0x4  }
0x3a: {  	v2 =	vadd.f32 v3, v2;
	_ =	sdelay $0x1  }
0x3b: {  	v2 =	vadd.f32 v2, v1;
	_ =	sdelay $0x1  }
0x3c: {  	v3 =	vmul.f32 $2.000000030e-01, v2  }
0x3d: {  	vm0 =	vge.f32 v2, $0.0e+00  }
0x3e: {  	v2 =	vsel vm0, v2, v3  }
0x3f: {  	v2 =	vmul.f32 $1.442695020e+00, v2;
	_ =	sdelay $0x1  }
0x40: {  	(erf) = vpow2.f32 v2;
	_ =	sdelay $0x8  }
0x41: {  	v2 =	vpop (erf)  }
0x42: {  	[tilespmem:s0+$0x0] =	vst v2  }
0x43: {  	v3 =	vld [tilespmem:s28+$0x0];
	_ =	sdelay $0x4  }
0x44: {  	v3 =	vmul.f32 v2, v3;
	_ =	sdelay $0x1  }
0x45: {  	s1 =	sand.u32 $0x3FF0, s1;
	[tilespmem:s29+$0x0] =	vst v3  }
0x46: {  	v3 =	vld [tilespmem:s1+$0x7800];
	_ =	sdelay $0x1  }
.Ltmp0:
0x47: {  	(pc) =	sbr.rel @!p0 .LBB2_2-.Ltmp0, $3  }
0x48: {  	_ =	sdelay $0x1  }
0x49: {  	v2 =	vmul.f32 v2, v3  }
0x4a: {  	s25 =	simm.s32 $0x0;
	s28 =	sadd.s32 $0x10, s28;
	s29 =	sadd.s32 $0x10, s29  }
0x4b: {  	[tilespmem:s1+$0xC800] =	vst v2;
	s26 =	simm.s32 $0x0  }
.LBB2_4:
0x4c: {  	s0 =	smul.u32 $0xA00, s26;
	_ =	sdelay $0x1  }
0x4d: {  	s1 =	sshrl.u32 s0, $0x3  }
0x4e: {  	s1 =	sadd.s32 s3, s1  }
0x4f: {  	[tilespmem:s17], [sflag:$0x1] =	stream.linear.gather [hbm4b:s1+s25], $0xA00, $0x38;
	[tilespmem:$0x13700] =	vst v63  }
0x50: {  	_ =	swait.ge [sflag:s13], $0xA00  }
0x51: {  	[sflag:s13] =	ssyncset.done $0x0  }
0x52: {  	s1 =	sadd.s32 $0x9C40, s1;
	[sflag:s13] =	ssyncadd.s32 $0xFFFFF600  }
0x53: {  	[tilespmem:s18], [sflag:$0x1] =	stream.linear.gather [hbm4b:s1+s25], $0xA00, $0x38;
	[tilespmem:$0x13700] =	vst v63  }
0x54: {  	s0 =	sadd.s32 s10, s0;
	_ =	swait.ge [sflag:s13], $0xA00  }
0x55: {  	s0 =	sshrl.u32 s0, $0x3;
	[sflag:s13] =	ssyncset.done $0x0  }
0x56: {  	s0 =	sadd.s32 s4, s0;
	[sflag:s13] =	ssyncadd.s32 $0xFFFFF600  }
0x57: {  	[tilespmem:s19], [sflag:$0x1] =	stream.linear.gather [hbm4b:s0+s25], $0xA00, $0x38;
	[tilespmem:$0x13700] =	vst v63  }
0x58: {  	_ =	swait.ge [sflag:s13], $0xA00  }
0x59: {  	[sflag:s13] =	ssyncset.done $0x0  }
0x5a: {  	s31 =	simm.s32 $0x0;
	[sflag:s13] =	ssyncadd.s32 $0xFFFFF600  }
0x5b: {  	v1 =	vld [tilespmem:s31+$0x11800]  }
0x5c: {  	v2 =	vld [tilespmem:s31+$0x12200];
	_ =	sdelay $0x6  }
0x5d: {  	v3 =	vld.idx.msk [tilespmem:v1+s2+$0x0], $0xffff  }
0x5e: {  	v4 =	vld.idx.msk [tilespmem:v2+s20+$0x0], $0xffff;
	_ =	sdelay $0x1  }
0x5f: {  	v5 =	vld [tilespmem:s31+$0x12C00];
	_ =	sdelay $0x2  }
0x60: {  	v3 =	vadd.f32 v4, v3;
	_ =	sdelay $0x1  }
0x61: {  	v3 =	vadd.f32 v5, v3;
	_ =	sdelay $0x1  }
0x62: {  	v62 =	vmul.f32 $2.000000030e-01, v3  }
0x63: {  	vm0 =	vge.f32 v3, $0.0e+00  }
0x64: {  	v3 =	vsel vm0, v3, v62  }
0x65: {  	v3 =	vmul.f32 $1.442695020e+00, v3;
	_ =	sdelay $0x1  }
0x66: {  	(erf) = vpow2.f32 v3;
	_ =	sdelay $0x8  }
0x67: {  	v3 =	vpop (erf)  }
0x68: {  	[tilespmem:v2+s21+$0x0] =	vst.idx.add.f32.msk $0xffff, v3  }
0x69: {  	v63 =	vld.idx.msk [tilespmem:v1+s22+$0x0], $0xffff;
	_ =	sdelay $0x2  }
0x6a: {  	v1 =	vadd.s32 $0x2800, v1;
	_ =	sdelay $0x1  }
0x6b: {  	v4 =	vmul.f32 v3, v63;
	_ =	sdelay $0x1  }
0x6c: {  	[tilespmem:v2+s23+$0x0] =	vst.idx.add.f32.msk $0xffff, v4  }
0x6d: {  	v4 =	vld.idx.msk [tilespmem:v1+s22+$0x0], $0xffff;
	_ =	sdelay $0x1  }
0x6e: {  	v1 =	vadd.s32 $0x2800, v2;
	_ =	sdelay $0x2  }
0x6f: {  	s28 =	simm.s32 $0x40;
	v2 =	vmul.f32 v3, v4  }
.LBB2_5:
0x70: {  	p0 =	sne.s32 s28, $0x27C0;
	s0 =	smov.u32 s28;
	s28 =	sadd.s32 $0x40, s28  }
0x71: {  	s0 =	sshra.s32 s0, $0x2;
	[tilespmem:v1+s23+$0x0] =	vst.idx.add.f32.msk $0xffff, v2  }
0x72: {  	v1 =	vld [tilespmem:s0+$0x11800]  }
0x73: {  	v2 =	vld [tilespmem:s0+$0x12200];
	_ =	sdelay $0x6  }
0x74: {  	v3 =	vld.idx.msk [tilespmem:v1+s2+$0x0], $0xffff  }
0x75: {  	v4 =	vld.idx.msk [tilespmem:v2+s20+$0x0], $0xffff;
	_ =	sdelay $0x1  }
0x76: {  	v5 =	vld [tilespmem:s0+$0x12C00];
	_ =	sdelay $0x3  }
0x77: {  	v3 =	vadd.f32 v4, v3;
	_ =	sdelay $0x1  }
0x78: {  	v3 =	vadd.f32 v5, v3;
	_ =	sdelay $0x1  }
0x79: {  	vm0 =	vge.f32 v3, $0.0e+00;
	v4 =	vmul.f32 $2.000000030e-01, v3;
	_ =	sdelay $0x1  }
0x7a: {  	v3 =	vsel vm0, v3, v4  }
0x7b: {  	v3 =	vmul.f32 $1.442695020e+00, v3;
	_ =	sdelay $0x1  }
0x7c: {  	(erf) = vpow2.f32 v3;
	_ =	sdelay $0x8  }
0x7d: {  	v3 =	vpop (erf)  }
0x7e: {  	[tilespmem:v2+s21+$0x0] =	vst.idx.add.f32.msk $0xffff, v3  }
0x7f: {  	v4 =	vld.idx.msk [tilespmem:v1+s22+$0x0], $0xffff;
	_ =	sdelay $0x2  }
0x80: {  	v1 =	vadd.s32 $0x2800, v1;
	_ =	sdelay $0x2  }
0x81: {  	v4 =	vmul.f32 v3, v4;
	_ =	sdelay $0x1  }
0x82: {  	[tilespmem:v2+s23+$0x0] =	vst.idx.add.f32.msk $0xffff, v4  }
0x83: {  	v4 =	vld.idx.msk [tilespmem:v1+s22+$0x0], $0xffff;
	_ =	sdelay $0x1  }
.Ltmp1:
0x84: {  	v1 =	vadd.s32 $0x2800, v2;
	(pc) =	sbr.rel @p0 .LBB2_5-.Ltmp1, $2  }
0x85: {  	_ =	sdelay $0x2  }
0x86: {  	v2 =	vmul.f32 v3, v4  }
0x87: {  	s26 =	sadd.s32 $0x1, s26  }
0x88: {  	p0 =	seq.s32 s26, $0x7D  }
.Ltmp2:
0x89: {  	_ = 	snop;
	(pc) =	sbr.rel @!p0 .LBB2_4-.Ltmp2, $2  }
0x8a: {  	_ =	sdelay $0x2  }
0x8b: {  	[tilespmem:v1+s23+$0x0] =	vst.idx.add.f32.msk $0xffff, v2  }
0x8c: {  	s0 =	simm.s32 $0xF000  }
0x8d: {  	v2 =	vld [tilespmem:s0+$0x0];
	_ =	sdelay $0x4  }
0x8e: {  	v2 =	vadd.f32 $1.000000020e-16, v2;
	_ =	sdelay $0x1  }
0x8f: {  	(erf) = vrcp.f32 v2;
	_ =	sdelay $0x3  }
0x90: {  	s25 =	simm.s32 $0xA000  }
0x91: {  	v2 =	vld [tilespmem:s25+$0x0];
	_ =	sdelay $0x3  }
0x92: {  	v3 =	vpop (erf)  }
0x93: {  	v1 =	vbroadcast v0, $0x0;
	v2 =	vmul.f32 v3, v2;
	_ =	sdelay $0x1  }
0x94: {  	v2 =	vadd.f32 v2, v1  }
0x95: {  	s1 =	simm.s32 $0x0  }
0x96: {  	s1 =	sand.u32 $0x3FF0, s1;
	[tilespmem:s25+$0x0] =	vst v2  }
0x97: {  	v2 =	vld [tilespmem:s1+$0xC800];
	_ =	sdelay $0x4  }
0x98: {  	v0 =	vbroadcast v0, $0x1;
	v2 =	vmul.f32 v2, v3;
	_ =	sdelay $0x1  }
0x99: {  	s26 =	simm.s32 $0x10;
	v2 =	vadd.f32 v2, v0  }
.LBB2_8:
0x9a: {  	_ = 	snop  }
0x9b: {  	p0 =	sne.s32 s26, $0x27F0;
	s0 =	sadd.s32 $0x10, s0;
	s25 =	sadd.s32 $0x10, s25;
	[tilespmem:s1+$0xC800] =	vst v2  }
0x9c: {  	s1 =	smov.u32 s26;
	s26 =	sadd.s32 $0x10, s26;
	v2 =	vld [tilespmem:s0+$0x0];
	_ =	sdelay $0x4  }
0x9d: {  	v2 =	vadd.f32 $1.000000020e-16, v2;
	_ =	sdelay $0x1  }
0x9e: {  	(erf) = vrcp.f32 v2;
	_ =	sdelay $0x4  }
0x9f: {  	v2 =	vld [tilespmem:s25+$0x0];
	_ =	sdelay $0x3  }
0xa0: {  	v3 =	vpop (erf)  }
0xa1: {  	v2 =	vmul.f32 v3, v2;
	_ =	sdelay $0x1  }
0xa2: {  	v2 =	vadd.f32 v2, v1;
	_ =	sdelay $0x1  }
0xa3: {  	s1 =	sand.u32 $0x3FF0, s1;
	[tilespmem:s25+$0x0] =	vst v2  }
0xa4: {  	v2 =	vld [tilespmem:s1+$0xC800];
	_ =	sdelay $0x2  }
.Ltmp3:
0xa5: {  	(pc) =	sbr.rel @p0 .LBB2_8-.Ltmp3, $3  }
0xa6: {  	_ = 	snop  }
0xa7: {  	v2 =	vmul.f32 v2, v3;
	_ =	sdelay $0x1  }
0xa8: {  	v2 =	vadd.f32 v2, v0  }
0xa9: {  	s24 =	sadd.s32 $0x1, s24  }
0xaa: {  	p0 =	sne.s32 s24, s12  }
.Ltmp4:
0xab: {  	[tilespmem:s1+$0xC800] =	vst v2;
	(pc) =	sbr.rel @p0 .LBB2_1-.Ltmp4, $4  }
0xac: {  	[hbm4b:s11+s2] =	stream.linear.scatter [tilespmem:s23], [sflag:$0x1], $0x5000, $0x38;
	[tilespmem:$0x13700] =	vst v63  }
0xad: {  	_ =	swait.ge [sflag:s13], $0x5000  }
0xae: {  	[sflag:s13] =	ssyncset.done $0x0  }
0xaf: {  	[sflag:s13] =	ssyncadd.s32 $0xFFFFB000  }
0xb0: {  	_ =	sfence.sel $0x180000  }
0xb1: {  	[bflag:$0x0] =	sbarrier.arrive $0xFFFF  }
0xb2: {  	_ =	strace $0x90000047  }
0xb3: {  	s0 =	stileid.u32;
	[bflag:$0x2] =	sbarrier.arrive $0xFFFF  }
0xb4: {  	p0 =	sne.s32 s0, $0x0;
	s0 =	rddreg [dreg:$0x2]  }
0xb5: {  	s0 =	sadd.s32 @!p0 $0x100000, s0  }
0xb6: {  	[sflag:s0] =	ssyncadd.tile.s32 @!p0 $0x1;
	_ =	shalt  }
.Lfunc_end2:
_tile_overlayer_lowered:
.L_overlay_start_2:
0xb7: {  	(tag) =	ssettag $0x2  }
0xb8: {  	s0 =	rddreg [dreg:$0x0];
	s2 =	stileid.u32  }
0xb9: {  	s1 =	rddreg [dreg:$0x1];
	p0 =	sne.s32 s2, $0x0  }
0xba: {  	s3 =	rddreg [dreg:$0x2];
	[bflag:$0x3] =	sbarrier.arrive $0xFFFF;
	s2 =	simm.s32 @!p0 $0x1C01  }
0xbb: {  	[timem:s3], [sflag:s2] =	dma.local @!p0 [hbm:s0], s1  }
0xbc: {  	s0 =	simm.s32 @!p0 $0x1  }
0xbd: {  	_ =	swait.ge @!p0 [sflag:s0], s1  }
0xbe: {  	s1 =	ssub.s32 @!p0 $0x0, s1;
	[sflag:s0] =	ssyncset.done @!p0 $0x0  }
0xbf: {  	[sflag:s0] =	ssyncadd.s32 @!p0 s1  }
0xc0: {  	[bflag:$0x3] =	sbarrier.arrive $0xFFFF  }
0xc1: {  	_ =	shalt  }

</sc_bundles>
